<compile_context>
chip_gen: v7x
topology: tpu7x:2x2x1
jax: 0.10.2.dev20260603
libtpu: 0.0.44.dev20260713+nightly
codegen_flags: <defaults>
</compile_context>

<pallas_src>
import jax
import jax.numpy as jnp
from jax import lax
from jax.experimental import pallas as pl
from jax.experimental.pallas import tpu as pltpu
from jax.experimental.pallas import tpu_sc as plsc

B, K, C, T, TD = 8, 20000, 256, 1024, 256
H = C // 2
KP = 20480
BK = 1024
NROW = KP // 128


def _score_body(f_ref, xz_ref, w1_ref, b1_ref, w2_ref, b2_ref, s_ref):
    f = f_ref[0]
    h = lax.dot_general(w1_ref[...], f, (((0,), (0,)), ((), ())),
                        preferred_element_type=jnp.float32)
    h = jnp.maximum(h + b1_ref[...], 0.0)
    logit = lax.dot_general(w2_ref[...], h, (((0,), (0,)), ((), ())),
                            preferred_element_type=jnp.float32)
    logit = logit + b2_ref[0, 0]
    grasp = jax.nn.sigmoid(logit)
    xz = xz_ref[0]
    valid = jnp.sum(jnp.abs(xz), axis=0, keepdims=True) > 0.0
    s_ref[0] = jnp.where(valid, grasp, -jnp.inf)


def _scores(features, xyzT_pad, W1, b1, W2, b2):
    return pl.pallas_call(
        _score_body,
        grid=(B, KP // BK),
        in_specs=[
            pl.BlockSpec((1, C, BK), lambda b, k: (b, 0, k)),
            pl.BlockSpec((1, 3, BK), lambda b, k: (b, 0, k)),
            pl.BlockSpec((C, H), lambda b, k: (0, 0)),
            pl.BlockSpec((H, 1), lambda b, k: (0, 0)),
            pl.BlockSpec((H, 1), lambda b, k: (0, 0)),
            pl.BlockSpec((1, 1), lambda b, k: (0, 0)),
        ],
        out_specs=pl.BlockSpec((1, 1, BK), lambda b, k: (b, 0, k)),
        out_shape=jax.ShapeDtypeStruct((B, 1, KP), jnp.float32),
    )(features, xyzT_pad, W1, b1.reshape(H, 1), W2, b2.reshape(1, 1))


def _topk_body(s_ref, idx_ref):
    bits = lax.bitcast_convert_type(s_ref[0], jnp.int32)

    def bis(i, t):
        cand = jnp.bitwise_or(t, jnp.left_shift(jnp.int32(1), 30 - i))
        cnt = jnp.sum((bits >= cand).astype(jnp.float32))
        return jnp.where(cnt >= float(T), cand, t)

    t = lax.fori_loop(0, 31, bis, jnp.zeros((), jnp.int32))

    gt = (bits > t).astype(jnp.float32).reshape(NROW, 128)
    eq = (bits == t).astype(jnp.float32).reshape(NROW, 128)
    u128 = (lax.broadcasted_iota(jnp.int32, (128, 128), 0)
            < lax.broadcasted_iota(jnp.int32, (128, 128), 1)).astype(jnp.float32)
    urow = (lax.broadcasted_iota(jnp.int32, (NROW, NROW), 0)
            < lax.broadcasted_iota(jnp.int32, (NROW, NROW), 1)).astype(jnp.float32)
    lrow = (lax.broadcasted_iota(jnp.int32, (NROW, NROW), 0)
            > lax.broadcasted_iota(jnp.int32, (NROW, NROW), 1)).astype(jnp.float32)
    ones128 = jnp.ones((1, 128), jnp.float32)

    def excl_prefix(rows):
        within = lax.dot_general(rows, u128, (((1,), (0,)), ((), ())),
                                 preferred_element_type=jnp.float32,
                             precision=lax.Precision.HIGHEST)
        rs_row = lax.dot_general(ones128, rows, (((1,), (1,)), ((), ())),
                                 preferred_element_type=jnp.float32,
                             precision=lax.Precision.HIGHEST)
        before_row = lax.dot_general(rs_row, urow, (((1,), (0,)), ((), ())),
                                     preferred_element_type=jnp.float32,
                             precision=lax.Precision.HIGHEST)
        before_col = lax.dot_general(lrow, jnp.sum(rows, axis=1, keepdims=True),
                                     (((1,), (0,)), ((), ())),
                                     preferred_element_type=jnp.float32,
                             precision=lax.Precision.HIGHEST)
        return within + before_col, before_row

    tie_rank, _ = excl_prefix(eq)
    need = float(T) - jnp.sum(gt)
    sel = jnp.minimum(gt + eq * (tie_rank < need), 1.0)
    within, before_row = excl_prefix(sel)

    hi = lax.shift_right_logical(bits, 16).astype(jnp.float32).reshape(NROW, 128)
    lo = jnp.bitwise_and(bits, 0xFFFF).astype(jnp.float32).reshape(NROW, 128)

    slot = lax.broadcasted_iota(jnp.int32, (T, 1), 0).astype(jnp.float32)
    lane = lax.broadcasted_iota(jnp.int32, (1, 128), 1).astype(jnp.float32)
    rowid = lax.broadcasted_iota(jnp.int32, (1, NROW), 1).astype(jnp.float32)

    row_of = jnp.sum((before_row <= slot).astype(jnp.float32), axis=1,
                     keepdims=True) - 1.0
    rowsel = (row_of == rowid).astype(jnp.float32)
    stacked = jnp.concatenate([within, sel, hi, lo], axis=1)
    g = lax.dot_general(rowsel, stacked, (((1,), (0,)), ((), ())),
                        preferred_element_type=jnp.float32,
                             precision=lax.Precision.HIGHEST)
    match = (g[:, 0:128] == slot).astype(jnp.float32) * g[:, 128:256]
    k_col = jnp.sum(match * lane, axis=1, keepdims=True) + row_of * 128.0
    hi_col = jnp.sum(match * g[:, 256:384], axis=1, keepdims=True)
    lo_col = jnp.sum(match * g[:, 384:512], axis=1, keepdims=True)

    ident = (lax.broadcasted_iota(jnp.int32, (T, T), 0)
             == lax.broadcasted_iota(jnp.int32, (T, T), 1)).astype(jnp.float32)
    hilo = jnp.concatenate([hi_col, lo_col], axis=1)
    hilo_row = lax.dot_general(hilo, ident, (((0,), (0,)), ((), ())),
                               preferred_element_type=jnp.float32,
                             precision=lax.Precision.HIGHEST)
    hj = hilo_row[0:1]
    lj = hilo_row[1:2]
    jrow = lax.broadcasted_iota(jnp.int32, (1, T), 1).astype(jnp.float32)
    srow = jrow

    out_row = jnp.zeros((1, T), jnp.float32)
    for ib in range(T // 128):
        s = slice(ib * 128, (ib + 1) * 128)
        hi_i = hi_col[s]
        lo_i = lo_col[s]
        irow = (lax.broadcasted_iota(jnp.int32, (128, 1), 0)
                + ib * 128).astype(jnp.float32)
        beats = ((hj > hi_i) | ((hj == hi_i) & (lj > lo_i))
                 | ((hj == hi_i) & (lj == lo_i) & (jrow < irow)))
        rank_blk = jnp.sum(beats.astype(jnp.float32), axis=1, keepdims=True)
        onehot = (rank_blk == srow).astype(jnp.float32)
        out_row = out_row + lax.dot_general(
            k_col[s], onehot, (((0,), (0,)), ((), ())),
            preferred_element_type=jnp.float32,
                             precision=lax.Precision.HIGHEST)
    idx_ref[0, 0] = out_row[0].astype(jnp.int32)


def _topk(scores3):
    return pl.pallas_call(
        _topk_body,
        grid=(B,),
        in_specs=[pl.BlockSpec((1, 1, KP), lambda b: (b, 0, 0))],
        out_specs=pl.BlockSpec((1, 1, T), lambda b: (b, 0, 0)),
        out_shape=jax.ShapeDtypeStruct((B, 1, T), jnp.int32),
    )(scores3).reshape(B, T)


_NC = 2
_NS = 16
_NW = _NC * _NS
_PAIRS_PER_W = (B * C) // _NW
_XROWS_PER_W = (B * T) // _NW


def _gather_kernel(fe_hbm, xyz_hbm, tix_hbm, fsel_hbm, xsel_hbm,
                   tix_v, idx_v, row_v, xidx_v, xrow_v, sem, xsem):
    wid = lax.axis_index("s") * _NC + lax.axis_index("c")

    p0 = wid * _PAIRS_PER_W
    b0 = p0 // C
    pltpu.sync_copy(tix_hbm.at[b0], tix_v)

    def pair_step(j, _):
        p = p0 + j
        base = p * K

        def build(r, _):
            def lanes(v, _):
                idx_v[r, pl.ds(v * 16, 16)] = (
                    tix_v[pl.ds(r * 128 + v * 16, 16)] + base)
                return 0
            return lax.fori_loop(0, 8, lanes, 0)
        lax.fori_loop(0, T // 128, build, 0)

        def fire(r, _):
            pltpu.async_copy(fe_hbm.at[idx_v.at[r]],
                             row_v.at[pl.ds(r * 128, 128)], sem)
            return 0
        lax.fori_loop(0, T // 128, fire, 0)

        def drain(r, _):
            pltpu.make_async_copy(fe_hbm.at[idx_v.at[0]],
                                  row_v.at[pl.ds(0, 128)], sem).wait()
            return 0
        lax.fori_loop(0, T // 128, drain, 0)
        pltpu.sync_copy(row_v, fsel_hbm.at[pl.ds(p * T, T)])
        return 0

    lax.fori_loop(0, _PAIRS_PER_W, pair_step, 0)

    r0 = wid * _XROWS_PER_W
    s0 = r0 - b0 * T
    nch = _XROWS_PER_W // 128

    def xbuild(h, _):
        def xch(c, _):
            def xlan(v, _):
                xidx_v[c * nch + h, pl.ds(v * 16, 16)] = (
                    (tix_v[pl.ds(s0 + h * 128 + v * 16, 16)] + b0 * K) * 3 + c)
                return 0
            return lax.fori_loop(0, 8, xlan, 0)
        return lax.fori_loop(0, 3, xch, 0)
    lax.fori_loop(0, nch, xbuild, 0)

    def xfire(cc, _):
        pltpu.async_copy(xyz_hbm.at[xidx_v.at[cc]],
                         xrow_v.at[pl.ds(cc * 128, 128)], xsem)
        return 0
    lax.fori_loop(0, 3 * nch, xfire, 0)

    def xdrain(cc, _):
        pltpu.make_async_copy(xyz_hbm.at[xidx_v.at[0]],
                              xrow_v.at[pl.ds(0, 128)], xsem).wait()
        return 0
    lax.fori_loop(0, 3 * nch, xdrain, 0)

    def xout(c, _):
        pltpu.sync_copy(
            xrow_v.at[pl.ds(c * _XROWS_PER_W, _XROWS_PER_W)],
            xsel_hbm.at[pl.ds(c * (B * T) + r0, _XROWS_PER_W)])
        return 0
    lax.fori_loop(0, 3, xout, 0)


def _sc_gather(fe_flat, xyz_rows, top_idx):
    mesh = plsc.VectorSubcoreMesh(core_axis_name="c", subcore_axis_name="s")
    f = pl.kernel(
        _gather_kernel,
        mesh=mesh,
        out_type=(jax.ShapeDtypeStruct((B * C * T,), jnp.float32),
                  jax.ShapeDtypeStruct((3 * B * T,), jnp.float32)),
        scratch_types=[
            pltpu.VMEM((T,), jnp.int32),
            pltpu.VMEM((T // 128, 128), jnp.int32),
            pltpu.VMEM((T,), jnp.float32),
            pltpu.VMEM((3 * (_XROWS_PER_W // 128), 128), jnp.int32),
            pltpu.VMEM((3 * _XROWS_PER_W,), jnp.float32),
            pltpu.SemaphoreType.DMA,
            pltpu.SemaphoreType.DMA,
        ],
    )
    return f(fe_flat, xyz_rows, top_idx)


def _out_body(fs_ref, w3_ref, b3_ref, g_ref, be_ref, o_ref):
    fs = fs_ref[0]
    tt = lax.dot_general(w3_ref[...], fs, (((0,), (0,)), ((), ())),
                         preferred_element_type=jnp.float32)
    tt = tt + b3_ref[...]
    mu = jnp.mean(tt, axis=0, keepdims=True)
    d = tt - mu
    var = jnp.mean(d * d, axis=0, keepdims=True)
    o_ref[0] = d / jnp.sqrt(var + 1e-5) * g_ref[...] + be_ref[...]


def _out_proj(fselT, W3, b3, gamma, beta):
    TB = 256
    return pl.pallas_call(
        _out_body,
        grid=(B, T // TB),
        in_specs=[
            pl.BlockSpec((1, C, TB), lambda b, t: (b, 0, t)),
            pl.BlockSpec((C, TD), lambda b, t: (0, 0)),
            pl.BlockSpec((TD, 1), lambda b, t: (0, 0)),
            pl.BlockSpec((TD, 1), lambda b, t: (0, 0)),
            pl.BlockSpec((TD, 1), lambda b, t: (0, 0)),
        ],
        out_specs=pl.BlockSpec((1, TD, TB), lambda b, t: (b, 0, t)),
        out_shape=jax.ShapeDtypeStruct((B, TD, T), jnp.float32),
    )(fselT, W3, b3.reshape(TD, 1), gamma.reshape(TD, 1), beta.reshape(TD, 1))


@jax.jit
def kernel(xyz, features, W1, b1, W2, b2, W3, b3, gamma, beta):
    xyzT = jnp.transpose(xyz, (0, 2, 1))
    xyzT_pad = jnp.pad(xyzT, ((0, 0), (0, 0), (0, KP - K)))
    scores = _scores(features, xyzT_pad, W1, b1, W2, b2)
    top_idx = _topk(scores)

    fe_flat = features.reshape(B * C * K)
    fsel_flat, xsel = _sc_gather(fe_flat, xyz.reshape(B * K * 3), top_idx)
    fselT = fsel_flat.reshape(B, C, T)

    feat_out = _out_proj(fselT, W3, b3, gamma, beta)
    xyz_sel = jnp.transpose(xsel.reshape(3, B, T), (1, 2, 0))
    return xyz_sel, feat_out

# --- scband reference (transcript-rebuilt; emitter-appended) ---
"""Pipeline reference for scband-graspability-guided-tokenizer-49211735277866 (READ-ONLY COPY).

The authoritative reference and input builder live on the scoring server;
editing this copy changes nothing except your own understanding.
"""

import jax, jax.numpy as jnp
import numpy as np

B, K, C, T, TD = 8, 20000, 256, 1024, 256

def setup_inputs(seed: int = 0) -> dict:
    key = jax.random.key(seed)
    ks = jax.random.split(key, 10)
    xyz = jax.random.normal(ks[0], (B, K, 3), dtype=jnp.float32)
    features = jax.random.normal(ks[1], (B, C, K), dtype=jnp.float32)
    W1 = jax.random.normal(ks[2], (C, C // 2), dtype=jnp.float32) * (1.0 / np.sqrt(C))
    b1 = jnp.zeros((C // 2,), dtype=jnp.float32)
    W2 = jax.random.normal(ks[3], (C // 2, 1), dtype=jnp.float32) * (1.0 / np.sqrt(C // 2))
    b2 = jnp.zeros((1,), dtype=jnp.float32)
    W3 = jax.random.normal(ks[4], (C, TD), dtype=jnp.float32) * (1.0 / np.sqrt(C))
    b3 = jnp.zeros((TD,), dtype=jnp.float32)
    gamma = jnp.ones((TD,), dtype=jnp.float32)
    beta = jnp.zeros((TD,), dtype=jnp.float32)
    return {"xyz": xyz, "features": features, "W1": W1, "b1": b1, "W2": W2, "b2": b2, "W3": W3, "b3": b3, "gamma": gamma, "beta": beta}

def reference(xyz, features, W1, b1, W2, b2, W3, b3, gamma, beta):
    # features: (B, C, K) -> (B, K, C)
    feat_bkc = jnp.transpose(features, (0, 2, 1))
    # graspability head: Linear -> ReLU -> Linear -> Sigmoid
    h = jax.nn.relu(feat_bkc @ W1 + b1)
    grasp = jax.nn.sigmoid(h @ W2 + b2)[..., 0]  # (B, K)
    # valid mask: points with nonzero coordinates (randn => all valid, n_valid > T)
    valid = jnp.sum(jnp.abs(xyz), axis=-1) > 0
    scores = jnp.where(valid, grasp, -jnp.inf)
    # top-k selection of graspable points (n_valid > target_num_tokens branch)
    _, idx = jax.lax.top_k(scores, T)  # (B, T)
    xyz_sel = jnp.take_along_axis(xyz, idx[..., None], axis=1)  # (B, T, 3)
    feat_sel = jnp.take_along_axis(feat_bkc, idx[..., None], axis=1)  # (B, T, C)
    # token aggregator: Linear + LayerNorm
    t = feat_sel @ W3 + b3  # (B, T, TD)
    mu = jnp.mean(t, axis=-1, keepdims=True)
    var = jnp.var(t, axis=-1, keepdims=True)
    t = (t - mu) / jnp.sqrt(var + 1e-5) * gamma + beta
    feat_out = jnp.transpose(t, (0, 2, 1))  # (B, TD, T)
    return xyz_sel, feat_out

if __name__ == "__main__":
    import jax
    _d = setup_inputs()
    print(jax.jit(kernel)(*tuple(_d.values())))

</pallas_src>

<mosaic_0001>
#map = affine_map<(d0, d1) -> (0)>
#map1 = affine_map<(d0, d1) -> (0, 0)>
module attributes {stable_mosaic.version = 14 : i64} {
  func.func @_gather_kernel(%arg0: i32, %arg1: i32, %arg2: memref<40960000xf32, #tpu.memory_space<hbm>>, %arg3: memref<480000xf32, #tpu.memory_space<hbm>>, %arg4: memref<8x1024xi32, #tpu.memory_space<hbm>>, %arg5: memref<2097152xf32, #tpu.memory_space<hbm>>, %arg6: memref<24576xf32, #tpu.memory_space<hbm>>, %arg7: memref<1024xi32, #tpu.memory_space<vmem>>, %arg8: memref<8x128xi32, #tpu.memory_space<vmem>>, %arg9: memref<1024xf32, #tpu.memory_space<vmem>>, %arg10: memref<6x128xi32, #tpu.memory_space<vmem>>, %arg11: memref<768xf32, #tpu.memory_space<vmem>>, %arg12: memref<!tpu.dma_semaphore, #tpu.memory_space<semaphore_mem>>, %arg13: memref<!tpu.dma_semaphore, #tpu.memory_space<semaphore_mem>>) attributes {dimension_semantics = [#tpu.dimension_semantics<core_parallel>, #tpu.dimension_semantics<subcore_parallel>], iteration_bounds = array<i64: 2, 16>, scalar_prefetch = 0 : i64, scratch_operands = 7 : i64, tpu.core_type = #tpu.core_type<sc_vector_subcore>, window_params = [{transform_indices = #map}, {transform_indices = #map}, {transform_indices = #map1}, {transform_indices = #map}, {transform_indices = #map}]} {
    %mul3A = arith.constant 2 : i32
    %mul3A_0 = arith.muli %arg1, %mul3A : i32
    %add3A = arith.addi %mul3A_0, %arg0 : i32
    %mul3A_1 = arith.constant 64 : i32
    %mul3A_2 = arith.muli %add3A, %mul3A_1 : i32
    %jit3A = arith.constant 256 : i32
    %div3A = arith.divsi %mul3A_2, %jit3A : i32
    %sign3A = arith.constant 0 : i32
    %sign3A_3 = arith.cmpi sgt, %mul3A_2, %sign3A : i32
    %sign3A_4 = arith.extui %sign3A_3 : i1 to i32
    %sign3A_5 = arith.constant 0 : i32
    %sign3A_6 = arith.cmpi slt, %mul3A_2, %sign3A_5 : i32
    %sign3A_7 = arith.extui %sign3A_6 : i1 to i32
    %sign3A_8 = arith.subi %sign3A_4, %sign3A_7 : i32
    %sign3A_9 = arith.constant 0 : i32
    %sign3A_10 = arith.cmpi sgt, %jit3A, %sign3A_9 : i32
    %sign3A_11 = arith.extui %sign3A_10 : i1 to i32
    %sign3A_12 = arith.constant 0 : i32
    %sign3A_13 = arith.cmpi slt, %jit3A, %sign3A_12 : i32
    %sign3A_14 = arith.extui %sign3A_13 : i1 to i32
    %sign3A_15 = arith.subi %sign3A_11, %sign3A_14 : i32
    %ne3A = arith.cmpi ne, %sign3A_8, %sign3A_15 : i32
    %rem3A = arith.remsi %mul3A_2, %jit3A : i32
    %ne3A_16 = arith.constant 0 : i32
    %ne3A_17 = arith.cmpi ne, %rem3A, %ne3A_16 : i32
    %and3A = arith.andi %ne3A, %ne3A_17 : i1
    %sub3A = arith.constant 1 : i32
    %sub3A_18 = arith.subi %div3A, %sub3A : i32
    %select_n3A = arith.select %and3A, %sub3A_18, %div3A : i32
    "tpu.region"() ({
      %run_scoped3A = tpu.sem_alloc : memref<!tpu.dma_semaphore, #tpu.memory_space<semaphore_mem>>
      %dma_start3A = arith.constant 0 : i32
      %dma_start3A_58 = tpu.memref_slice %arg4[%select_n3A, %dma_start3A] : memref<8x1024xi32, #tpu.memory_space<hbm>> -> memref<1x1024xi32, #tpu.memory_space<hbm>>
      %dma_start3A_59 = tpu.memref_squeeze %dma_start3A_58 : memref<1x1024xi32, #tpu.memory_space<hbm>> -> memref<1024xi32, #tpu.memory_space<hbm>>
      %dma_start3A_60 = arith.constant 0 : i32
      %dma_start3A_61 = tpu.memref_slice %arg4[%select_n3A, %dma_start3A_60] : memref<8x1024xi32, #tpu.memory_space<hbm>> -> memref<1x1024xi32, #tpu.memory_space<hbm>>
      %dma_start3A_62 = tpu.memref_squeeze %dma_start3A_61 : memref<1x1024xi32, #tpu.memory_space<hbm>> -> memref<1024xi32, #tpu.memory_space<hbm>>
      tpu.enqueue_dma source(%dma_start3A_62 : memref<1024xi32, #tpu.memory_space<hbm>>) target(%arg7 : memref<1024xi32, #tpu.memory_space<vmem>>) target_semaphore(%run_scoped3A : memref<!tpu.dma_semaphore, #tpu.memory_space<semaphore_mem>>)
      %dma_wait3A = arith.constant 0 : i32
      %dma_wait3A_63 = tpu.memref_slice %arg4[%select_n3A, %dma_wait3A] : memref<8x1024xi32, #tpu.memory_space<hbm>> -> memref<1x1024xi32, #tpu.memory_space<hbm>>
      %dma_wait3A_64 = tpu.memref_squeeze %dma_wait3A_63 : memref<1x1024xi32, #tpu.memory_space<hbm>> -> memref<1024xi32, #tpu.memory_space<hbm>>
      %dma_wait3A_65 = arith.constant 0 : i32
      %dma_wait3A_66 = tpu.memref_slice %arg4[%select_n3A, %dma_wait3A_65] : memref<8x1024xi32, #tpu.memory_space<hbm>> -> memref<1x1024xi32, #tpu.memory_space<hbm>>
      %dma_wait3A_67 = tpu.memref_squeeze %dma_wait3A_66 : memref<1x1024xi32, #tpu.memory_space<hbm>> -> memref<1024xi32, #tpu.memory_space<hbm>>
      tpu.wait_dma2 semaphore(%run_scoped3A : memref<!tpu.dma_semaphore, #tpu.memory_space<semaphore_mem>>) src(%dma_wait3A_67 : memref<1024xi32, #tpu.memory_space<hbm>>) dst(%arg7 : memref<1024xi32, #tpu.memory_space<vmem>>)
      tpu.yield
    }) : () -> ()
    %scan3A = arith.constant 0 : i32
    %scan3A_19 = arith.constant 0 : i32
    %scan3A_20 = arith.constant 64 : i32
    %scan3A_21 = arith.addi %scan3A_19, %scan3A_20 : i32
    %scan3A_22 = arith.constant 1 : i32
    %scan3A_23 = scf.for %scan3A_58 = %scan3A_19 to %scan3A_21 step %scan3A_22 iter_args(%scan3A_59 = %scan3A) -> (i32)  : i32 {
      %add3A_60 = arith.addi %mul3A_2, %scan3A_58 : i32
      %mul3A_61 = arith.constant 20000 : i32
      %mul3A_62 = arith.muli %add3A_60, %mul3A_61 : i32
      %scan3A_63 = arith.constant 0 : i32
      %scan3A_64 = arith.constant 0 : i32
      %scan3A_65 = arith.constant 8 : i32
      %scan3A_66 = arith.addi %scan3A_64, %scan3A_65 : i32
      %scan3A_67 = arith.constant 1 : i32
      %scan3A_68 = scf.for %scan3A_87 = %scan3A_64 to %scan3A_66 step %scan3A_67 iter_args(%scan3A_88 = %scan3A_63) -> (i32)  : i32 {
        %scan3A_89 = arith.constant 0 : i32
        %scan3A_90 = arith.constant 0 : i32
        %scan3A_91 = arith.constant 8 : i32
        %scan3A_92 = arith.addi %scan3A_90, %scan3A_91 : i32
        %scan3A_93 = arith.constant 1 : i32
        %scan3A_94 = scf.for %scan3A_96 = %scan3A_90 to %scan3A_92 step %scan3A_93 iter_args(%scan3A_97 = %scan3A_89) -> (i32)  : i32 {
          %mul3A_98 = arith.constant 128 : i32
          %mul3A_99 = arith.muli %scan3A_87, %mul3A_98 : i32
          %mul3A_100 = arith.constant 16 : i32
          %mul3A_101 = arith.muli %scan3A_96, %mul3A_100 : i32
          %add3A_102 = arith.addi %mul3A_99, %mul3A_101 : i32
          %get3A = arith.index_cast %add3A_102 : i32 to index
          %get3A_103 = tpu.vector_load %arg7[%get3A] {strides = array<i32>} : memref<1024xi32, #tpu.memory_space<vmem>>, vector<16xi32>,
          %get3A_104 = vector.shape_cast %get3A_103 : vector<16xi32> to vector<16xi32>
          %add3A_105 = vector.broadcast %mul3A_62 : i32 to vector<16xi32>
          %add3A_106 = arith.addi %get3A_104, %add3A_105 : vector<16xi32>
          %mul3A_107 = arith.constant 16 : i32
          %mul3A_108 = arith.muli %scan3A_96, %mul3A_107 : i32
          %swap3A = arith.index_cast %scan3A_87 : i32 to index
          %swap3A_109 = arith.index_cast %mul3A_108 : i32 to index
          %swap3A_110 = tpu.vector_load %arg8[%swap3A, %swap3A_109] {strides = array<i32>} : memref<8x128xi32, #tpu.memory_space<vmem>>, vector<1x16xi32>,
          %swap3A_111 = vector.shape_cast %swap3A_110 : vector<1x16xi32> to vector<16xi32>
          %swap3A_112 = vector.shape_cast %add3A_106 : vector<16xi32> to vector<1x16xi32>
          tpu.vector_store %arg8[%swap3A, %swap3A_109], %swap3A_112 {strides = array<i32>} : memref<8x128xi32, #tpu.memory_space<vmem>>, vector<1x16xi32>,
          %scan3A_113 = arith.constant 0 : i32
          scf.yield %scan3A_113 : i32
        }
        %scan3A_95 = arith.constant 8 : i32
        scf.yield %scan3A_94 : i32
      }
      %scan3A_69 = arith.constant 8 : i32
      %scan3A_70 = arith.constant 0 : i32
      %scan3A_71 = arith.constant 0 : i32
      %scan3A_72 = arith.constant 8 : i32
      %scan3A_73 = arith.addi %scan3A_71, %scan3A_72 : i32
      %scan3A_74 = arith.constant 1 : i32
      %scan3A_75 = scf.for %scan3A_87 = %scan3A_71 to %scan3A_73 step %scan3A_74 iter_args(%scan3A_88 = %scan3A_70) -> (i32)  : i32 {
        %mul3A_89 = arith.constant 128 : i32
        %mul3A_90 = arith.muli %scan3A_87, %mul3A_89 : i32
        %dma_start3A = tpu.memref_slice %arg9[%mul3A_90] : memref<1024xf32, #tpu.memory_space<vmem>> -> memref<128xf32, #tpu.memory_space<vmem>>
        %dma_start3A_91 = arith.constant 0 : i32
        %dma_start3A_92 = tpu.memref_slice %arg8[%scan3A_87, %dma_start3A_91] : memref<8x128xi32, #tpu.memory_space<vmem>> -> memref<1x128xi32, #tpu.memory_space<vmem>>
        %dma_start3A_93 = tpu.memref_squeeze %dma_start3A_92 : memref<1x128xi32, #tpu.memory_space<vmem>> -> memref<128xi32, #tpu.memory_space<vmem>>
        %dma_start3A_94 = arith.constant 0 : i32
        %dma_start3A_95 = tpu.memref_slice %arg2[%dma_start3A_94] : memref<40960000xf32, #tpu.memory_space<hbm>> -> memref<40960000xf32, #tpu.memory_space<hbm>>
        tpu.enqueue_indirect_dma source(%dma_start3A_95 : memref<40960000xf32, #tpu.memory_space<hbm>>) target(%dma_start3A : memref<128xf32, #tpu.memory_space<vmem>>) offsets(%dma_start3A_93 : memref<128xi32, #tpu.memory_space<vmem>>) semaphore(%arg12 : memref<!tpu.dma_semaphore, #tpu.memory_space<semaphore_mem>>)
        %scan3A_96 = arith.constant 0 : i32
        scf.yield %scan3A_96 : i32
      }
      %scan3A_76 = arith.constant 8 : i32
      %scan3A_77 = arith.constant 0 : i32
      %scan3A_78 = arith.constant 0 : i32
      %scan3A_79 = arith.constant 8 : i32
      %scan3A_80 = arith.addi %scan3A_78, %scan3A_79 : i32
      %scan3A_81 = arith.constant 1 : i32
      %scan3A_82 = scf.for %scan3A_87 = %scan3A_78 to %scan3A_80 step %scan3A_81 iter_args(%scan3A_88 = %scan3A_77) -> (i32)  : i32 {
        %dma_wait3A = arith.constant 0 : i32
        %dma_wait3A_89 = arith.constant 0 : i32
        %dma_wait3A_90 = tpu.memref_slice %arg9[%dma_wait3A_89] : memref<1024xf32, #tpu.memory_space<vmem>> -> memref<128xf32, #tpu.memory_space<vmem>>
        %dma_wait3A_91 = arith.constant 0 : i32
        %dma_wait3A_92 = tpu.memref_slice %arg8[%dma_wait3A, %dma_wait3A_91] : memref<8x128xi32, #tpu.memory_space<vmem>> -> memref<1x128xi32, #tpu.memory_space<vmem>>
        %dma_wait3A_93 = tpu.memref_squeeze %dma_wait3A_92 : memref<1x128xi32, #tpu.memory_space<vmem>> -> memref<128xi32, #tpu.memory_space<vmem>>
        %dma_wait3A_94 = arith.constant 0 : i32
        %dma_wait3A_95 = tpu.memref_slice %arg2[%dma_wait3A_94] : memref<40960000xf32, #tpu.memory_space<hbm>> -> memref<40960000xf32, #tpu.memory_space<hbm>>
        tpu.wait_indirect_dma semaphore(%arg12 : memref<!tpu.dma_semaphore, #tpu.memory_space<semaphore_mem>>) src(%dma_wait3A_95 : memref<40960000xf32, #tpu.memory_space<hbm>>) dst(%dma_wait3A_90 : memref<128xf32, #tpu.memory_space<vmem>>)
        %scan3A_96 = arith.constant 0 : i32
        scf.yield %scan3A_96 : i32
      }
      %scan3A_83 = arith.constant 8 : i32
      %mul3A_84 = arith.constant 1024 : i32
      %mul3A_85 = arith.muli %add3A_60, %mul3A_84 : i32
      "tpu.region"() ({
        %run_scoped3A = tpu.sem_alloc : memref<!tpu.dma_semaphore, #tpu.memory_space<semaphore_mem>>
        %dma_start3A = tpu.memref_slice %arg5[%mul3A_85] : memref<2097152xf32, #tpu.memory_space<hbm>> -> memref<1024xf32, #tpu.memory_space<hbm>>
        %dma_start3A_87 = tpu.memref_slice %arg5[%mul3A_85] : memref<2097152xf32, #tpu.memory_space<hbm>> -> memref<1024xf32, #tpu.memory_space<hbm>>
        tpu.enqueue_dma source(%arg9 : memref<1024xf32, #tpu.memory_space<vmem>>) target(%dma_start3A_87 : memref<1024xf32, #tpu.memory_space<hbm>>) target_semaphore(%run_scoped3A : memref<!tpu.dma_semaphore, #tpu.memory_space<semaphore_mem>>)
        %dma_wait3A = tpu.memref_slice %arg5[%mul3A_85] : memref<2097152xf32, #tpu.memory_space<hbm>> -> memref<1024xf32, #tpu.memory_space<hbm>>
        %dma_wait3A_88 = tpu.memref_slice %arg5[%mul3A_85] : memref<2097152xf32, #tpu.memory_space<hbm>> -> memref<1024xf32, #tpu.memory_space<hbm>>
        tpu.wait_dma2 semaphore(%run_scoped3A : memref<!tpu.dma_semaphore, #tpu.memory_space<semaphore_mem>>) src(%arg9 : memref<1024xf32, #tpu.memory_space<vmem>>) dst(%dma_wait3A_88 : memref<1024xf32, #tpu.memory_space<hbm>>)
        tpu.yield
      }) : () -> ()
      %scan3A_86 = arith.constant 0 : i32
      scf.yield %scan3A_86 : i32
    }
    %scan3A_24 = arith.constant 64 : i32
    %mul3A_25 = arith.constant 256 : i32
    %mul3A_26 = arith.muli %add3A, %mul3A_25 : i32
    %mul3A_27 = arith.constant 1024 : i32
    %mul3A_28 = arith.muli %select_n3A, %mul3A_27 : i32
    %sub3A_29 = arith.subi %mul3A_26, %mul3A_28 : i32
    %scan3A_30 = arith.constant 0 : i32
    %scan3A_31 = arith.constant 0 : i32
    %scan3A_32 = arith.constant 2 : i32
    %scan3A_33 = arith.addi %scan3A_31, %scan3A_32 : i32
    %scan3A_34 = arith.constant 1 : i32
    %scan3A_35 = scf.for %scan3A_58 = %scan3A_31 to %scan3A_33 step %scan3A_34 iter_args(%scan3A_59 = %scan3A_30) -> (i32)  : i32 {
      %scan3A_60 = arith.constant 0 : i32
      %scan3A_61 = arith.constant 0 : i32
      %scan3A_62 = arith.constant 3 : i32
      %scan3A_63 = arith.addi %scan3A_61, %scan3A_62 : i32
      %scan3A_64 = arith.constant 1 : i32
      %scan3A_65 = scf.for %scan3A_67 = %scan3A_61 to %scan3A_63 step %scan3A_64 iter_args(%scan3A_68 = %scan3A_60) -> (i32)  : i32 {
        %scan3A_69 = arith.constant 0 : i32
        %scan3A_70 = arith.constant 0 : i32
        %scan3A_71 = arith.constant 8 : i32
        %scan3A_72 = arith.addi %scan3A_70, %scan3A_71 : i32
        %scan3A_73 = arith.constant 1 : i32
        %scan3A_74 = scf.for %scan3A_76 = %scan3A_70 to %scan3A_72 step %scan3A_73 iter_args(%scan3A_77 = %scan3A_69) -> (i32)  : i32 {
          %mul3A_78 = arith.constant 128 : i32
          %mul3A_79 = arith.muli %scan3A_58, %mul3A_78 : i32
          %add3A_80 = arith.addi %sub3A_29, %mul3A_79 : i32
          %mul3A_81 = arith.constant 16 : i32
          %mul3A_82 = arith.muli %scan3A_76, %mul3A_81 : i32
          %add3A_83 = arith.addi %add3A_80, %mul3A_82 : i32
          %get3A = arith.index_cast %add3A_83 : i32 to index
          %get3A_84 = tpu.vector_load %arg7[%get3A] {strides = array<i32>} : memref<1024xi32, #tpu.memory_space<vmem>>, vector<16xi32>,
          %get3A_85 = vector.shape_cast %get3A_84 : vector<16xi32> to vector<16xi32>
          %mul3A_86 = arith.constant 20000 : i32
          %mul3A_87 = arith.muli %select_n3A, %mul3A_86 : i32
          %add3A_88 = vector.broadcast %mul3A_87 : i32 to vector<16xi32>
          %add3A_89 = arith.addi %get3A_85, %add3A_88 : vector<16xi32>
          %mul3A_90 = arith.constant 3 : i32
          %mul3A_91 = vector.broadcast %mul3A_90 : i32 to vector<16xi32>
          %mul3A_92 = arith.muli %add3A_89, %mul3A_91 : vector<16xi32>
          %add3A_93 = vector.broadcast %scan3A_67 : i32 to vector<16xi32>
          %add3A_94 = arith.addi %mul3A_92, %add3A_93 : vector<16xi32>
          %mul3A_95 = arith.constant 2 : i32
          %mul3A_96 = arith.muli %scan3A_67, %mul3A_95 : i32
          %add3A_97 = arith.addi %mul3A_96, %scan3A_58 : i32
          %mul3A_98 = arith.constant 16 : i32
          %mul3A_99 = arith.muli %scan3A_76, %mul3A_98 : i32
          %swap3A = arith.index_cast %add3A_97 : i32 to index
          %swap3A_100 = arith.index_cast %mul3A_99 : i32 to index
          %swap3A_101 = tpu.vector_load %arg10[%swap3A, %swap3A_100] {strides = array<i32>} : memref<6x128xi32, #tpu.memory_space<vmem>>, vector<1x16xi32>,
          %swap3A_102 = vector.shape_cast %swap3A_101 : vector<1x16xi32> to vector<16xi32>
          %swap3A_103 = vector.shape_cast %add3A_94 : vector<16xi32> to vector<1x16xi32>
          tpu.vector_store %arg10[%swap3A, %swap3A_100], %swap3A_103 {strides = array<i32>} : memref<6x128xi32, #tpu.memory_space<vmem>>, vector<1x16xi32>,
          %scan3A_104 = arith.constant 0 : i32
          scf.yield %scan3A_104 : i32
        }
        %scan3A_75 = arith.constant 8 : i32
        scf.yield %scan3A_74 : i32
      }
      %scan3A_66 = arith.constant 3 : i32
      scf.yield %scan3A_65 : i32
    }
    %scan3A_36 = arith.constant 2 : i32
    %scan3A_37 = arith.constant 0 : i32
    %scan3A_38 = arith.constant 0 : i32
    %scan3A_39 = arith.constant 6 : i32
    %scan3A_40 = arith.addi %scan3A_38, %scan3A_39 : i32
    %scan3A_41 = arith.constant 1 : i32
    %scan3A_42 = scf.for %scan3A_58 = %scan3A_38 to %scan3A_40 step %scan3A_41 iter_args(%scan3A_59 = %scan3A_37) -> (i32)  : i32 {
      %mul3A_60 = arith.constant 128 : i32
      %mul3A_61 = arith.muli %scan3A_58, %mul3A_60 : i32
      %dma_start3A = tpu.memref_slice %arg11[%mul3A_61] : memref<768xf32, #tpu.memory_space<vmem>> -> memref<128xf32, #tpu.memory_space<vmem>>
      %dma_start3A_62 = arith.constant 0 : i32
      %dma_start3A_63 = tpu.memref_slice %arg10[%scan3A_58, %dma_start3A_62] : memref<6x128xi32, #tpu.memory_space<vmem>> -> memref<1x128xi32, #tpu.memory_space<vmem>>
      %dma_start3A_64 = tpu.memref_squeeze %dma_start3A_63 : memref<1x128xi32, #tpu.memory_space<vmem>> -> memref<128xi32, #tpu.memory_space<vmem>>
      %dma_start3A_65 = arith.constant 0 : i32
      %dma_start3A_66 = tpu.memref_slice %arg3[%dma_start3A_65] : memref<480000xf32, #tpu.memory_space<hbm>> -> memref<480000xf32, #tpu.memory_space<hbm>>
      tpu.enqueue_indirect_dma source(%dma_start3A_66 : memref<480000xf32, #tpu.memory_space<hbm>>) target(%dma_start3A : memref<128xf32, #tpu.memory_space<vmem>>) offsets(%dma_start3A_64 : memref<128xi32, #tpu.memory_space<vmem>>) semaphore(%arg13 : memref<!tpu.dma_semaphore, #tpu.memory_space<semaphore_mem>>)
      %scan3A_67 = arith.constant 0 : i32
      scf.yield %scan3A_67 : i32
    }
    %scan3A_43 = arith.constant 6 : i32
    %scan3A_44 = arith.constant 0 : i32
    %scan3A_45 = arith.constant 0 : i32
    %scan3A_46 = arith.constant 6 : i32
    %scan3A_47 = arith.addi %scan3A_45, %scan3A_46 : i32
    %scan3A_48 = arith.constant 1 : i32
    %scan3A_49 = scf.for %scan3A_58 = %scan3A_45 to %scan3A_47 step %scan3A_48 iter_args(%scan3A_59 = %scan3A_44) -> (i32)  : i32 {
      %dma_wait3A = arith.constant 0 : i32
      %dma_wait3A_60 = arith.constant 0 : i32
      %dma_wait3A_61 = tpu.memref_slice %arg11[%dma_wait3A_60] : memref<768xf32, #tpu.memory_space<vmem>> -> memref<128xf32, #tpu.memory_space<vmem>>
      %dma_wait3A_62 = arith.constant 0 : i32
      %dma_wait3A_63 = tpu.memref_slice %arg10[%dma_wait3A, %dma_wait3A_62] : memref<6x128xi32, #tpu.memory_space<vmem>> -> memref<1x128xi32, #tpu.memory_space<vmem>>
      %dma_wait3A_64 = tpu.memref_squeeze %dma_wait3A_63 : memref<1x128xi32, #tpu.memory_space<vmem>> -> memref<128xi32, #tpu.memory_space<vmem>>
      %dma_wait3A_65 = arith.constant 0 : i32
      %dma_wait3A_66 = tpu.memref_slice %arg3[%dma_wait3A_65] : memref<480000xf32, #tpu.memory_space<hbm>> -> memref<480000xf32, #tpu.memory_space<hbm>>
      tpu.wait_indirect_dma semaphore(%arg13 : memref<!tpu.dma_semaphore, #tpu.memory_space<semaphore_mem>>) src(%dma_wait3A_66 : memref<480000xf32, #tpu.memory_space<hbm>>) dst(%dma_wait3A_61 : memref<128xf32, #tpu.memory_space<vmem>>)
      %scan3A_67 = arith.constant 0 : i32
      scf.yield %scan3A_67 : i32
    }
    %scan3A_50 = arith.constant 6 : i32
    %scan3A_51 = arith.constant 0 : i32
    %scan3A_52 = arith.constant 0 : i32
    %scan3A_53 = arith.constant 3 : i32
    %scan3A_54 = arith.addi %scan3A_52, %scan3A_53 : i32
    %scan3A_55 = arith.constant 1 : i32
    %scan3A_56 = scf.for %scan3A_58 = %scan3A_52 to %scan3A_54 step %scan3A_55 iter_args(%scan3A_59 = %scan3A_51) -> (i32)  : i32 {
      %mul3A_60 = arith.constant 256 : i32
      %mul3A_61 = arith.muli %scan3A_58, %mul3A_60 : i32
      %mul3A_62 = arith.constant 8192 : i32
      %mul3A_63 = arith.muli %scan3A_58, %mul3A_62 : i32
      %add3A_64 = arith.addi %mul3A_63, %mul3A_26 : i32
      "tpu.region"() ({
        %run_scoped3A = tpu.sem_alloc : memref<!tpu.dma_semaphore, #tpu.memory_space<semaphore_mem>>
        %dma_start3A = tpu.memref_slice %arg11[%mul3A_61] : memref<768xf32, #tpu.memory_space<vmem>> -> memref<256xf32, #tpu.memory_space<vmem>>
        %dma_start3A_66 = tpu.memref_slice %arg6[%add3A_64] : memref<24576xf32, #tpu.memory_space<hbm>> -> memref<256xf32, #tpu.memory_space<hbm>>
        %dma_start3A_67 = tpu.memref_slice %arg6[%add3A_64] : memref<24576xf32, #tpu.memory_space<hbm>> -> memref<256xf32, #tpu.memory_space<hbm>>
        %dma_start3A_68 = tpu.memref_slice %arg11[%mul3A_61] : memref<768xf32, #tpu.memory_space<vmem>> -> memref<256xf32, #tpu.memory_space<vmem>>
        tpu.enqueue_dma source(%dma_start3A_68 : memref<256xf32, #tpu.memory_space<vmem>>) target(%dma_start3A_67 : memref<256xf32, #tpu.memory_space<hbm>>) target_semaphore(%run_scoped3A : memref<!tpu.dma_semaphore, #tpu.memory_space<semaphore_mem>>)
        %dma_wait3A = tpu.memref_slice %arg11[%mul3A_61] : memref<768xf32, #tpu.memory_space<vmem>> -> memref<256xf32, #tpu.memory_space<vmem>>
        %dma_wait3A_69 = tpu.memref_slice %arg6[%add3A_64] : memref<24576xf32, #tpu.memory_space<hbm>> -> memref<256xf32, #tpu.memory_space<hbm>>
        %dma_wait3A_70 = tpu.memref_slice %arg6[%add3A_64] : memref<24576xf32, #tpu.memory_space<hbm>> -> memref<256xf32, #tpu.memory_space<hbm>>
        %dma_wait3A_71 = tpu.memref_slice %arg11[%mul3A_61] : memref<768xf32, #tpu.memory_space<vmem>> -> memref<256xf32, #tpu.memory_space<vmem>>
        tpu.wait_dma2 semaphore(%run_scoped3A : memref<!tpu.dma_semaphore, #tpu.memory_space<semaphore_mem>>) src(%dma_wait3A_71 : memref<256xf32, #tpu.memory_space<vmem>>) dst(%dma_wait3A_70 : memref<256xf32, #tpu.memory_space<hbm>>)
        tpu.yield
      }) : () -> ()
      %scan3A_65 = arith.constant 0 : i32
      scf.yield %scan3A_65 : i32
    }
    %scan3A_57 = arith.constant 3 : i32
    return
  }
}

module attributes {stable_mosaic.version = 14 : i64} {
  func.func @_score_body(%arg0: i32, %arg1: i32, %arg2: memref<1x256x1024xf32, #tpu.memory_space<vmem>>, %arg3: memref<1x3x1024xf32, #tpu.memory_space<vmem>>, %arg4: memref<256x128xf32, #tpu.memory_space<vmem>>, %arg5: memref<128x1xf32, #tpu.memory_space<vmem>>, %arg6: memref<128x1xf32, #tpu.memory_space<vmem>>, %arg7: memref<1x1xf32, #tpu.memory_space<vmem>>, %arg8: memref<1x1x1024xf32, #tpu.memory_space<vmem>>) attributes {dimension_semantics = [#tpu.dimension_semantics<arbitrary>, #tpu.dimension_semantics<arbitrary>], iteration_bounds = array<i64: 8, 20>, scalar_prefetch = 0 : i64, scratch_operands = 0 : i64, tpu.core_type = #tpu.core_type<tc>, window_params = [{transform_indices = @transform_0, window_bounds = array<i64: 1, 256, 1024>}, {transform_indices = @transform_1, window_bounds = array<i64: 1, 3, 1024>}, {pipeline_mode = #tpu.pipeline_mode<synchronous>, transform_indices = @transform_2, window_bounds = array<i64: 256, 128>}, {pipeline_mode = #tpu.pipeline_mode<synchronous>, transform_indices = @transform_3, window_bounds = array<i64: 128, 1>}, {pipeline_mode = #tpu.pipeline_mode<synchronous>, transform_indices = @transform_4, window_bounds = array<i64: 128, 1>}, {pipeline_mode = #tpu.pipeline_mode<synchronous>, transform_indices = @transform_5, window_bounds = array<i64: 1, 1>}, {transform_indices = @transform_6, window_bounds = array<i64: 1, 1, 1024>}]} {
    %get3A = arith.constant 0 : index
    %get3A_0 = arith.constant 0 : index
    %get3A_1 = arith.constant 0 : index
    %get3A_2 = vector.load %arg2[%get3A, %get3A_0, %get3A_1] : memref<1x256x1024xf32, #tpu.memory_space<vmem>>, vector<1x256x1024xf32>
    %get3A_3 = vector.shape_cast %get3A_2 : vector<1x256x1024xf32> to vector<256x1024xf32>
    %get3A_4 = arith.constant 0 : index
    %get3A_5 = arith.constant 0 : index
    %get3A_6 = vector.load %arg4[%get3A_4, %get3A_5] : memref<256x128xf32, #tpu.memory_space<vmem>>, vector<256x128xf32>
    %dot_general3A = arith.constant dense<0.000000e+00> : vector<128x1024xf32>
    %dot_general3A_7 = tpu.matmul %get3A_6, %get3A_3, %dot_general3A {dimension_numbers = #tpu.dot_dimension_numbers<[0], [0], [1], [1], [0, 1, 1, 1], [], []>, transpose_lhs_hint = false} : vector<256x128xf32>, vector<256x1024xf32>, vector<128x1024xf32> -> vector<128x1024xf32>
    %get3A_8 = arith.constant 0 : index
    %get3A_9 = arith.constant 0 : index
    %get3A_10 = vector.load %arg5[%get3A_8, %get3A_9] : memref<128x1xf32, #tpu.memory_space<vmem>>, vector<128x1xf32>
    %add3A = vector.broadcast %get3A_10 : vector<128x1xf32> to vector<128x1024xf32>
    %add3A_11 = arith.addf %dot_general3A_7, %add3A : vector<128x1024xf32>
    %max3A = arith.constant 0.000000e+00 : f32
    %max3A_12 = vector.broadcast %max3A : f32 to vector<128x1024xf32>
    %max3A_13 = arith.maximumf %add3A_11, %max3A_12 : vector<128x1024xf32>
    %get3A_14 = arith.constant 0 : index
    %get3A_15 = arith.constant 0 : index
    %get3A_16 = vector.load %arg6[%get3A_14, %get3A_15] : memref<128x1xf32, #tpu.memory_space<vmem>>, vector<128x1xf32>
    %dot_general3A_17 = arith.constant dense<0.000000e+00> : vector<1x1024xf32>
    %dot_general3A_18 = tpu.matmul %get3A_16, %max3A_13, %dot_general3A_17 {dimension_numbers = #tpu.dot_dimension_numbers<[0], [0], [1], [1], [0, 1, 1, 1], [], []>, transpose_lhs_hint = false} : vector<128x1xf32>, vector<128x1024xf32>, vector<1x1024xf32> -> vector<1x1024xf32>
    %get3A_19 = arith.constant 0 : index
    %get3A_20 = arith.constant 0 : index
    %get3A_21 = vector.load %arg7[%get3A_19, %get3A_20] : memref<1x1xf32, #tpu.memory_space<vmem>>, vector<1x1xf32>
    %get3A_22 = vector.extract %get3A_21[0, 0] : f32 from vector<1x1xf32>
    %add3A_23 = vector.broadcast %get3A_22 : f32 to vector<1x1024xf32>
    %add3A_24 = arith.addf %dot_general3A_18, %add3A_23 : vector<1x1024xf32>
    %logistic3A = arith.negf %add3A_24 : vector<1x1024xf32>
    %logistic3A_25 = math.exp %logistic3A : vector<1x1024xf32>
    %logistic3A_26 = arith.constant 1.000000e+00 : f32
    %logistic3A_27 = vector.broadcast %logistic3A_26 : f32 to vector<1x1024xf32>
    %logistic3A_28 = arith.addf %logistic3A_27, %logistic3A_25 : vector<1x1024xf32>
    %logistic3A_29 = arith.divf %logistic3A_27, %logistic3A_28 : vector<1x1024xf32>
    %get3A_30 = arith.constant 0 : index
    %get3A_31 = arith.constant 0 : index
    %get3A_32 = arith.constant 0 : index
    %get3A_33 = vector.load %arg3[%get3A_30, %get3A_31, %get3A_32] : memref<1x3x1024xf32, #tpu.memory_space<vmem>>, vector<1x3x1024xf32>
    %get3A_34 = vector.shape_cast %get3A_33 : vector<1x3x1024xf32> to vector<3x1024xf32>
    %abs3A = math.absf %get3A_34 : vector<3x1024xf32>
    %reduce_sum3A = arith.constant dense<0.000000e+00> : vector<1024xf32>
    %reduce_sum3A_35 = vector.multi_reduction <add>, %abs3A, %reduce_sum3A [0] : vector<3x1024xf32> to vector<1024xf32>
    %broadcast_in_dim3A = vector.shape_cast %reduce_sum3A_35 : vector<1024xf32> to vector<1x1024xf32>
    %gt3A = arith.constant 0.000000e+00 : f32
    %gt3A_36 = vector.broadcast %gt3A : f32 to vector<1x1024xf32>
    %gt3A_37 = arith.cmpf ogt, %broadcast_in_dim3A, %gt3A_36 : vector<1x1024xf32>
    %jit3A = arith.constant 0xFF800000 : f32
    %broadcast_in_dim3A_38 = vector.broadcast %jit3A : f32 to vector<1x1024xf32>
    %select_n3A = arith.select %gt3A_37, %logistic3A_29, %broadcast_in_dim3A_38 : vector<1x1024xi1>, vector<1x1024xf32>
    %swap3A = arith.constant 0 : index
    %swap3A_39 = arith.constant 0 : index
    %swap3A_40 = arith.constant 0 : index
    %swap3A_41 = vector.load %arg8[%swap3A, %swap3A_39, %swap3A_40] : memref<1x1x1024xf32, #tpu.memory_space<vmem>>, vector<1x1x1024xf32>
    %swap3A_42 = vector.shape_cast %swap3A_41 : vector<1x1x1024xf32> to vector<1x1024xf32>
    %swap3A_43 = vector.shape_cast %select_n3A : vector<1x1024xf32> to vector<1x1x1024xf32>
    tpu.vector_store %arg8[%swap3A, %swap3A_39, %swap3A_40], %swap3A_43 {strides = array<i32>} : memref<1x1x1024xf32, #tpu.memory_space<vmem>>, vector<1x1x1024xf32>,
    return
  }
  func.func @transform_0(%arg0: i32, %arg1: i32) -> (i32, i32, i32) {
    %c0_i32 = arith.constant 0 : i32
    %c0_i32_0 = arith.constant 0 : i32
    return %arg0, %c0_i32, %arg1 : i32, i32, i32
  }
  func.func @transform_1(%arg0: i32, %arg1: i32) -> (i32, i32, i32) {
    %c0_i32 = arith.constant 0 : i32
    %c0_i32_0 = arith.constant 0 : i32
    return %arg0, %c0_i32, %arg1 : i32, i32, i32
  }
  func.func @transform_2(%arg0: i32, %arg1: i32) -> (i32, i32) {
    %c0_i32 = arith.constant 0 : i32
    %c0_i32_0 = arith.constant 0 : i32
    %c0_i32_1 = arith.constant 0 : i32
    return %c0_i32, %c0_i32_0 : i32, i32
  }
  func.func @transform_3(%arg0: i32, %arg1: i32) -> (i32, i32) {
    %c0_i32 = arith.constant 0 : i32
    %c0_i32_0 = arith.constant 0 : i32
    %c0_i32_1 = arith.constant 0 : i32
    return %c0_i32, %c0_i32_0 : i32, i32
  }
  func.func @transform_4(%arg0: i32, %arg1: i32) -> (i32, i32) {
    %c0_i32 = arith.constant 0 : i32
    %c0_i32_0 = arith.constant 0 : i32
    %c0_i32_1 = arith.constant 0 : i32
    return %c0_i32, %c0_i32_0 : i32, i32
  }
  func.func @transform_5(%arg0: i32, %arg1: i32) -> (i32, i32) {
    %c0_i32 = arith.constant 0 : i32
    %c0_i32_0 = arith.constant 0 : i32
    %c0_i32_1 = arith.constant 0 : i32
    return %c0_i32, %c0_i32_0 : i32, i32
  }
  func.func @transform_6(%arg0: i32, %arg1: i32) -> (i32, i32, i32) {
    %c0_i32 = arith.constant 0 : i32
    %c0_i32_0 = arith.constant 0 : i32
    return %arg0, %c0_i32, %arg1 : i32, i32, i32
  }
}

module attributes {stable_mosaic.version = 14 : i64} {
  func.func @_topk_body(%arg0: i32, %arg1: memref<1x1x20480xf32, #tpu.memory_space<vmem>>, %arg2: memref<1x1x1024xi32, #tpu.memory_space<vmem>>) attributes {dimension_semantics = [#tpu.dimension_semantics<arbitrary>], iteration_bounds = array<i64: 8>, scalar_prefetch = 0 : i64, scratch_operands = 0 : i64, tpu.core_type = #tpu.core_type<tc>, window_params = [{transform_indices = @transform_0, window_bounds = array<i64: 1, 1, 20480>}, {transform_indices = @transform_1, window_bounds = array<i64: 1, 1, 1024>}]} {
    %get3A = arith.constant 0 : index
    %get3A_0 = arith.constant 0 : index
    %get3A_1 = arith.constant 0 : index
    %get3A_2 = vector.load %arg1[%get3A, %get3A_0, %get3A_1] : memref<1x1x20480xf32, #tpu.memory_space<vmem>>, vector<1x1x20480xf32>
    %get3A_3 = vector.shape_cast %get3A_2 : vector<1x1x20480xf32> to vector<1x20480xf32>
    %bitcast_convert_type3A = tpu.bitcast %get3A_3 : vector<1x20480xf32> -> vector<1x20480xi32>
    %scan3A = arith.constant 0 : i32
    %scan3A_4 = arith.constant 0 : i32
    %scan3A_5 = arith.constant 31 : i32
    %scan3A_6 = arith.addi %scan3A_4, %scan3A_5 : i32
    %scan3A_7 = arith.constant 1 : i32
    %scan3A_8 = scf.for %scan3A_489 = %scan3A_4 to %scan3A_6 step %scan3A_7 iter_args(%scan3A_490 = %scan3A) -> (i32)  : i32 {
      %sub3A_491 = arith.constant 30 : i32
      %sub3A_492 = arith.subi %sub3A_491, %scan3A_489 : i32
      %shift_left3A = arith.constant 1 : i32
      %shift_left3A_493 = arith.shli %shift_left3A, %sub3A_492 : i32
      %or3A_494 = arith.ori %scan3A_490, %shift_left3A_493 : i32
      %ge3A = vector.broadcast %or3A_494 : i32 to vector<1x20480xi32>
      %ge3A_495 = arith.cmpi sge, %bitcast_convert_type3A, %ge3A : vector<1x20480xi32>
      %convert_element_type3A_496 = arith.extui %ge3A_495 : vector<1x20480xi1> to vector<1x20480xi32>
      %convert_element_type3A_497 = arith.sitofp %convert_element_type3A_496 : vector<1x20480xi32> to vector<1x20480xf32>
      %reduce_sum3A_498 = vector.shape_cast %convert_element_type3A_497 : vector<1x20480xf32> to vector<1x1x20480xf32>
      %reduce_sum3A_499 = arith.constant dense<0.000000e+00> : vector<1xf32>
      %reduce_sum3A_500 = vector.multi_reduction <add>, %reduce_sum3A_498, %reduce_sum3A_499 [1, 2] : vector<1x1x20480xf32> to vector<1xf32>
      %reduce_sum3A_501 = vector.shape_cast %reduce_sum3A_500 : vector<1xf32> to vector<1x1x1xf32>
      %reduce_sum3A_502 = vector.extract %reduce_sum3A_501[0, 0, 0] : f32 from vector<1x1x1xf32>
      %ge3A_503 = arith.constant 1.024000e+03 : f32
      %ge3A_504 = arith.cmpf oge, %reduce_sum3A_502, %ge3A_503 : f32
      %select_n3A = arith.select %ge3A_504, %or3A_494, %scan3A_490 : i32
      scf.yield %select_n3A : i32
    }
    %scan3A_9 = arith.constant 31 : i32
    %gt3A = vector.broadcast %scan3A_8 : i32 to vector<1x20480xi32>
    %gt3A_10 = arith.cmpi sgt, %bitcast_convert_type3A, %gt3A : vector<1x20480xi32>
    %convert_element_type3A = arith.extui %gt3A_10 : vector<1x20480xi1> to vector<1x20480xi32>
    %convert_element_type3A_11 = arith.sitofp %convert_element_type3A : vector<1x20480xi32> to vector<1x20480xf32>
    %reshape3A = vector.shape_cast %convert_element_type3A_11 : vector<1x20480xf32> to vector<160x128xf32>
    %eq3A = vector.broadcast %scan3A_8 : i32 to vector<1x20480xi32>
    %eq3A_12 = arith.cmpi eq, %bitcast_convert_type3A, %eq3A : vector<1x20480xi32>
    %convert_element_type3A_13 = arith.extui %eq3A_12 : vector<1x20480xi1> to vector<1x20480xi32>
    %convert_element_type3A_14 = arith.sitofp %convert_element_type3A_13 : vector<1x20480xi32> to vector<1x20480xf32>
    %reshape3A_15 = vector.shape_cast %convert_element_type3A_14 : vector<1x20480xf32> to vector<160x128xf32>
    %iota3A = tpu.iota {dimensions = array<i32: 0>} : vector<128x128xi32>
    %iota3A_16 = tpu.iota {dimensions = array<i32: 1>} : vector<128x128xi32>
    %lt3A = arith.cmpi slt, %iota3A, %iota3A_16 : vector<128x128xi32>
    %convert_element_type3A_17 = arith.extui %lt3A : vector<128x128xi1> to vector<128x128xi32>
    %convert_element_type3A_18 = arith.sitofp %convert_element_type3A_17 : vector<128x128xi32> to vector<128x128xf32>
    %iota3A_19 = tpu.iota {dimensions = array<i32: 0>} : vector<160x160xi32>
    %iota3A_20 = tpu.iota {dimensions = array<i32: 1>} : vector<160x160xi32>
    %lt3A_21 = arith.cmpi slt, %iota3A_19, %iota3A_20 : vector<160x160xi32>
    %convert_element_type3A_22 = arith.extui %lt3A_21 : vector<160x160xi1> to vector<160x160xi32>
    %convert_element_type3A_23 = arith.sitofp %convert_element_type3A_22 : vector<160x160xi32> to vector<160x160xf32>
    %iota3A_24 = tpu.iota {dimensions = array<i32: 0>} : vector<160x160xi32>
    %iota3A_25 = tpu.iota {dimensions = array<i32: 1>} : vector<160x160xi32>
    %gt3A_26 = arith.cmpi sgt, %iota3A_24, %iota3A_25 : vector<160x160xi32>
    %convert_element_type3A_27 = arith.extui %gt3A_26 : vector<160x160xi1> to vector<160x160xi32>
    %convert_element_type3A_28 = arith.sitofp %convert_element_type3A_27 : vector<160x160xi32> to vector<160x160xf32>
    %broadcast_in_dim3A = arith.constant 1.000000e+00 : f32
    %broadcast_in_dim3A_29 = vector.broadcast %broadcast_in_dim3A : f32 to vector<1x128xf32>
    %dot_general3A = arith.constant dense<0.000000e+00> : vector<160x128xf32>
    %dot_general3A_30 = tpu.matmul %reshape3A_15, %convert_element_type3A_18, %dot_general3A {dimension_numbers = #tpu.dot_dimension_numbers<[1], [0], [0], [1], [0, 0, 1, 1], [], []>, precision = #tpu.contract_precision<fp32>, transpose_lhs_hint = false} : vector<160x128xf32>, vector<128x128xf32>, vector<160x128xf32> -> vector<160x128xf32>
    %reduce_sum3A = arith.constant dense<0.000000e+00> : vector<160xf32>
    %reduce_sum3A_31 = vector.multi_reduction <add>, %reshape3A_15, %reduce_sum3A [1] : vector<160x128xf32> to vector<160xf32>
    %broadcast_in_dim3A_32 = vector.shape_cast %reduce_sum3A_31 : vector<160xf32> to vector<160x1xf32>
    %dot_general3A_33 = arith.constant dense<0.000000e+00> : vector<160x1xf32>
    %dot_general3A_34 = tpu.matmul %convert_element_type3A_28, %broadcast_in_dim3A_32, %dot_general3A_33 {dimension_numbers = #tpu.dot_dimension_numbers<[1], [0], [0], [1], [0, 0, 1, 1], [], []>, precision = #tpu.contract_precision<fp32>, transpose_lhs_hint = false} : vector<160x160xf32>, vector<160x1xf32>, vector<160x1xf32> -> vector<160x1xf32>
    %add3A = vector.broadcast %dot_general3A_34 : vector<160x1xf32> to vector<160x128xf32>
    %add3A_35 = arith.addf %dot_general3A_30, %add3A : vector<160x128xf32>
    %reduce_sum3A_36 = vector.shape_cast %reshape3A : vector<160x128xf32> to vector<1x160x128xf32>
    %reduce_sum3A_37 = arith.constant dense<0.000000e+00> : vector<1xf32>
    %reduce_sum3A_38 = vector.multi_reduction <add>, %reduce_sum3A_36, %reduce_sum3A_37 [1, 2] : vector<1x160x128xf32> to vector<1xf32>
    %reduce_sum3A_39 = vector.shape_cast %reduce_sum3A_38 : vector<1xf32> to vector<1x1x1xf32>
    %reduce_sum3A_40 = vector.extract %reduce_sum3A_39[0, 0, 0] : f32 from vector<1x1x1xf32>
    %sub3A = arith.constant 1.024000e+03 : f32
    %sub3A_41 = arith.subf %sub3A, %reduce_sum3A_40 : f32
    %lt3A_42 = vector.broadcast %sub3A_41 : f32 to vector<160x128xf32>
    %lt3A_43 = arith.cmpf olt, %add3A_35, %lt3A_42 : vector<160x128xf32>
    %convert_element_type3A_44 = arith.extui %lt3A_43 : vector<160x128xi1> to vector<160x128xi32>
    %convert_element_type3A_45 = arith.sitofp %convert_element_type3A_44 : vector<160x128xi32> to vector<160x128xf32>
    %mul3A = arith.mulf %reshape3A_15, %convert_element_type3A_45 : vector<160x128xf32>
    %add3A_46 = arith.addf %reshape3A, %mul3A : vector<160x128xf32>
    %min3A = arith.constant 1.000000e+00 : f32
    %min3A_47 = vector.broadcast %min3A : f32 to vector<160x128xf32>
    %min3A_48 = arith.minimumf %add3A_46, %min3A_47 : vector<160x128xf32>
    %dot_general3A_49 = arith.constant dense<0.000000e+00> : vector<160x128xf32>
    %dot_general3A_50 = tpu.matmul %min3A_48, %convert_element_type3A_18, %dot_general3A_49 {dimension_numbers = #tpu.dot_dimension_numbers<[1], [0], [0], [1], [0, 0, 1, 1], [], []>, precision = #tpu.contract_precision<fp32>, transpose_lhs_hint = false} : vector<160x128xf32>, vector<128x128xf32>, vector<160x128xf32> -> vector<160x128xf32>
    %dot_general3A_51 = arith.constant dense<0.000000e+00> : vector<1x160xf32>
    %dot_general3A_52 = tpu.matmul %broadcast_in_dim3A_29, %min3A_48, %dot_general3A_51 {dimension_numbers = #tpu.dot_dimension_numbers<[1], [1], [0], [0], [0, 0, 1, 0], [], []>, precision = #tpu.contract_precision<fp32>, transpose_lhs_hint = false} : vector<1x128xf32>, vector<160x128xf32>, vector<1x160xf32> -> vector<1x160xf32>
    %dot_general3A_53 = arith.constant dense<0.000000e+00> : vector<1x160xf32>
    %dot_general3A_54 = tpu.matmul %dot_general3A_52, %convert_element_type3A_23, %dot_general3A_53 {dimension_numbers = #tpu.dot_dimension_numbers<[1], [0], [0], [1], [0, 0, 1, 1], [], []>, precision = #tpu.contract_precision<fp32>, transpose_lhs_hint = false} : vector<1x160xf32>, vector<160x160xf32>, vector<1x160xf32> -> vector<1x160xf32>
    %reduce_sum3A_55 = arith.constant dense<0.000000e+00> : vector<160xf32>
    %reduce_sum3A_56 = vector.multi_reduction <add>, %min3A_48, %reduce_sum3A_55 [1] : vector<160x128xf32> to vector<160xf32>
    %broadcast_in_dim3A_57 = vector.shape_cast %reduce_sum3A_56 : vector<160xf32> to vector<160x1xf32>
    %dot_general3A_58 = arith.constant dense<0.000000e+00> : vector<160x1xf32>
    %dot_general3A_59 = tpu.matmul %convert_element_type3A_28, %broadcast_in_dim3A_57, %dot_general3A_58 {dimension_numbers = #tpu.dot_dimension_numbers<[1], [0], [0], [1], [0, 0, 1, 1], [], []>, precision = #tpu.contract_precision<fp32>, transpose_lhs_hint = false} : vector<160x160xf32>, vector<160x1xf32>, vector<160x1xf32> -> vector<160x1xf32>
    %add3A_60 = vector.broadcast %dot_general3A_59 : vector<160x1xf32> to vector<160x128xf32>
    %add3A_61 = arith.addf %dot_general3A_50, %add3A_60 : vector<160x128xf32>
    %shift_right_logical3A = arith.constant 16 : i32
    %shift_right_logical3A_62 = vector.broadcast %shift_right_logical3A : i32 to vector<1x20480xi32>
    %shift_right_logical3A_63 = arith.shrui %bitcast_convert_type3A, %shift_right_logical3A_62 : vector<1x20480xi32>
    %convert_element_type3A_64 = arith.sitofp %shift_right_logical3A_63 : vector<1x20480xi32> to vector<1x20480xf32>
    %reshape3A_65 = vector.shape_cast %convert_element_type3A_64 : vector<1x20480xf32> to vector<160x128xf32>
    %and3A = arith.constant 65535 : i32
    %and3A_66 = vector.broadcast %and3A : i32 to vector<1x20480xi32>
    %and3A_67 = arith.andi %bitcast_convert_type3A, %and3A_66 : vector<1x20480xi32>
    %convert_element_type3A_68 = arith.sitofp %and3A_67 : vector<1x20480xi32> to vector<1x20480xf32>
    %reshape3A_69 = vector.shape_cast %convert_element_type3A_68 : vector<1x20480xf32> to vector<160x128xf32>
    %iota3A_70 = tpu.iota {dimensions = array<i32: 0>} : vector<1024x1xi32>
    %convert_element_type3A_71 = arith.sitofp %iota3A_70 : vector<1024x1xi32> to vector<1024x1xf32>
    %iota3A_72 = tpu.iota {dimensions = array<i32: 1>} : vector<1x128xi32>
    %convert_element_type3A_73 = arith.sitofp %iota3A_72 : vector<1x128xi32> to vector<1x128xf32>
    %iota3A_74 = tpu.iota {dimensions = array<i32: 1>} : vector<1x160xi32>
    %convert_element_type3A_75 = arith.sitofp %iota3A_74 : vector<1x160xi32> to vector<1x160xf32>
    %le3A = vector.broadcast %dot_general3A_54 : vector<1x160xf32> to vector<1024x160xf32>
    %le3A_76 = vector.broadcast %convert_element_type3A_71 : vector<1024x1xf32> to vector<1024x160xf32>
    %le3A_77 = arith.cmpf ole, %le3A, %le3A_76 : vector<1024x160xf32>
    %convert_element_type3A_78 = arith.extui %le3A_77 : vector<1024x160xi1> to vector<1024x160xi32>
    %convert_element_type3A_79 = arith.sitofp %convert_element_type3A_78 : vector<1024x160xi32> to vector<1024x160xf32>
    %reduce_sum3A_80 = arith.constant dense<0.000000e+00> : vector<1024xf32>
    %reduce_sum3A_81 = vector.multi_reduction <add>, %convert_element_type3A_79, %reduce_sum3A_80 [1] : vector<1024x160xf32> to vector<1024xf32>
    %broadcast_in_dim3A_82 = vector.shape_cast %reduce_sum3A_81 : vector<1024xf32> to vector<1024x1xf32>
    %sub3A_83 = arith.constant 1.000000e+00 : f32
    %sub3A_84 = vector.broadcast %sub3A_83 : f32 to vector<1024x1xf32>
    %sub3A_85 = arith.subf %broadcast_in_dim3A_82, %sub3A_84 : vector<1024x1xf32>
    %eq3A_86 = vector.broadcast %sub3A_85 : vector<1024x1xf32> to vector<1024x160xf32>
    %eq3A_87 = vector.broadcast %convert_element_type3A_75 : vector<1x160xf32> to vector<1024x160xf32>
    %eq3A_88 = arith.cmpf oeq, %eq3A_86, %eq3A_87 : vector<1024x160xf32>
    %convert_element_type3A_89 = arith.extui %eq3A_88 : vector<1024x160xi1> to vector<1024x160xi32>
    %convert_element_type3A_90 = arith.sitofp %convert_element_type3A_89 : vector<1024x160xi32> to vector<1024x160xf32>
    %concatenate3A = tpu.concatenate %add3A_61, %min3A_48, %reshape3A_65, %reshape3A_69 in 1 : vector<160x128xf32>, vector<160x128xf32>, vector<160x128xf32>, vector<160x128xf32> -> vector<160x512xf32>
    %dot_general3A_91 = arith.constant dense<0.000000e+00> : vector<1024x512xf32>
    %dot_general3A_92 = tpu.matmul %convert_element_type3A_90, %concatenate3A, %dot_general3A_91 {dimension_numbers = #tpu.dot_dimension_numbers<[1], [0], [0], [1], [0, 0, 1, 1], [], []>, precision = #tpu.contract_precision<fp32>, transpose_lhs_hint = false} : vector<1024x160xf32>, vector<160x512xf32>, vector<1024x512xf32> -> vector<1024x512xf32>
    %slice3A = vector.extract_strided_slice %dot_general3A_92 {offsets = [0, 0], sizes = [1024, 128], strides = [1, 1]} : vector<1024x512xf32> to vector<1024x128xf32>
    %eq3A_93 = vector.broadcast %convert_element_type3A_71 : vector<1024x1xf32> to vector<1024x128xf32>
    %eq3A_94 = arith.cmpf oeq, %slice3A, %eq3A_93 : vector<1024x128xf32>
    %convert_element_type3A_95 = arith.extui %eq3A_94 : vector<1024x128xi1> to vector<1024x128xi32>
    %convert_element_type3A_96 = arith.sitofp %convert_element_type3A_95 : vector<1024x128xi32> to vector<1024x128xf32>
    %slice3A_97 = vector.extract_strided_slice %dot_general3A_92 {offsets = [0, 128], sizes = [1024, 128], strides = [1, 1]} : vector<1024x512xf32> to vector<1024x128xf32>
    %mul3A_98 = arith.mulf %convert_element_type3A_96, %slice3A_97 : vector<1024x128xf32>
    %mul3A_99 = vector.broadcast %convert_element_type3A_73 : vector<1x128xf32> to vector<1024x128xf32>
    %mul3A_100 = arith.mulf %mul3A_98, %mul3A_99 : vector<1024x128xf32>
    %reduce_sum3A_101 = arith.constant dense<0.000000e+00> : vector<1024xf32>
    %reduce_sum3A_102 = vector.multi_reduction <add>, %mul3A_100, %reduce_sum3A_101 [1] : vector<1024x128xf32> to vector<1024xf32>
    %broadcast_in_dim3A_103 = vector.shape_cast %reduce_sum3A_102 : vector<1024xf32> to vector<1024x1xf32>
    %mul3A_104 = arith.constant 1.280000e+02 : f32
    %mul3A_105 = vector.broadcast %mul3A_104 : f32 to vector<1024x1xf32>
    %mul3A_106 = arith.mulf %sub3A_85, %mul3A_105 : vector<1024x1xf32>
    %add3A_107 = arith.addf %broadcast_in_dim3A_103, %mul3A_106 : vector<1024x1xf32>
    %slice3A_108 = vector.extract_strided_slice %dot_general3A_92 {offsets = [0, 256], sizes = [1024, 128], strides = [1, 1]} : vector<1024x512xf32> to vector<1024x128xf32>
    %mul3A_109 = arith.mulf %mul3A_98, %slice3A_108 : vector<1024x128xf32>
    %reduce_sum3A_110 = arith.constant dense<0.000000e+00> : vector<1024xf32>
    %reduce_sum3A_111 = vector.multi_reduction <add>, %mul3A_109, %reduce_sum3A_110 [1] : vector<1024x128xf32> to vector<1024xf32>
    %broadcast_in_dim3A_112 = vector.shape_cast %reduce_sum3A_111 : vector<1024xf32> to vector<1024x1xf32>
    %slice3A_113 = vector.extract_strided_slice %dot_general3A_92 {offsets = [0, 384], sizes = [1024, 128], strides = [1, 1]} : vector<1024x512xf32> to vector<1024x128xf32>
    %mul3A_114 = arith.mulf %mul3A_98, %slice3A_113 : vector<1024x128xf32>
    %reduce_sum3A_115 = arith.constant dense<0.000000e+00> : vector<1024xf32>
    %reduce_sum3A_116 = vector.multi_reduction <add>, %mul3A_114, %reduce_sum3A_115 [1] : vector<1024x128xf32> to vector<1024xf32>
    %broadcast_in_dim3A_117 = vector.shape_cast %reduce_sum3A_116 : vector<1024xf32> to vector<1024x1xf32>
    %iota3A_118 = tpu.iota {dimensions = array<i32: 0>} : vector<1024x1024xi32>
    %iota3A_119 = tpu.iota {dimensions = array<i32: 1>} : vector<1024x1024xi32>
    %eq3A_120 = arith.cmpi eq, %iota3A_118, %iota3A_119 : vector<1024x1024xi32>
    %convert_element_type3A_121 = arith.extui %eq3A_120 : vector<1024x1024xi1> to vector<1024x1024xi32>
    %convert_element_type3A_122 = arith.sitofp %convert_element_type3A_121 : vector<1024x1024xi32> to vector<1024x1024xf32>
    %concatenate3A_123 = tpu.concatenate %broadcast_in_dim3A_112, %broadcast_in_dim3A_117 in 1 : vector<1024x1xf32>, vector<1024x1xf32> -> vector<1024x2xf32>
    %dot_general3A_124 = arith.constant dense<0.000000e+00> : vector<2x1024xf32>
    %dot_general3A_125 = tpu.matmul %concatenate3A_123, %convert_element_type3A_122, %dot_general3A_124 {dimension_numbers = #tpu.dot_dimension_numbers<[0], [0], [1], [1], [0, 1, 1, 1], [], []>, precision = #tpu.contract_precision<fp32>, transpose_lhs_hint = false} : vector<1024x2xf32>, vector<1024x1024xf32>, vector<2x1024xf32> -> vector<2x1024xf32>
    %slice3A_126 = vector.extract_strided_slice %dot_general3A_125 {offsets = [0, 0], sizes = [1, 1024], strides = [1, 1]} : vector<2x1024xf32> to vector<1x1024xf32>
    %slice3A_127 = vector.extract_strided_slice %dot_general3A_125 {offsets = [1, 0], sizes = [1, 1024], strides = [1, 1]} : vector<2x1024xf32> to vector<1x1024xf32>
    %iota3A_128 = tpu.iota {dimensions = array<i32: 1>} : vector<1x1024xi32>
    %convert_element_type3A_129 = arith.sitofp %iota3A_128 : vector<1x1024xi32> to vector<1x1024xf32>
    %broadcast_in_dim3A_130 = arith.constant 0.000000e+00 : f32
    %broadcast_in_dim3A_131 = vector.broadcast %broadcast_in_dim3A_130 : f32 to vector<1x1024xf32>
    %slice3A_132 = vector.extract_strided_slice %broadcast_in_dim3A_112 {offsets = [0, 0], sizes = [128, 1], strides = [1, 1]} : vector<1024x1xf32> to vector<128x1xf32>
    %slice3A_133 = vector.extract_strided_slice %broadcast_in_dim3A_117 {offsets = [0, 0], sizes = [128, 1], strides = [1, 1]} : vector<1024x1xf32> to vector<128x1xf32>
    %iota3A_134 = tpu.iota {dimensions = array<i32: 0>} : vector<128x1xi32>
    %add3A_135 = arith.constant 0 : i32
    %add3A_136 = vector.broadcast %add3A_135 : i32 to vector<128x1xi32>
    %add3A_137 = arith.addi %iota3A_134, %add3A_136 : vector<128x1xi32>
    %convert_element_type3A_138 = arith.sitofp %add3A_137 : vector<128x1xi32> to vector<128x1xf32>
    %gt3A_139 = vector.broadcast %slice3A_126 : vector<1x1024xf32> to vector<128x1024xf32>
    %gt3A_140 = vector.broadcast %slice3A_132 : vector<128x1xf32> to vector<128x1024xf32>
    %gt3A_141 = arith.cmpf ogt, %gt3A_139, %gt3A_140 : vector<128x1024xf32>
    %eq3A_142 = vector.broadcast %slice3A_126 : vector<1x1024xf32> to vector<128x1024xf32>
    %eq3A_143 = vector.broadcast %slice3A_132 : vector<128x1xf32> to vector<128x1024xf32>
    %eq3A_144 = arith.cmpf oeq, %eq3A_142, %eq3A_143 : vector<128x1024xf32>
    %gt3A_145 = vector.broadcast %slice3A_127 : vector<1x1024xf32> to vector<128x1024xf32>
    %gt3A_146 = vector.broadcast %slice3A_133 : vector<128x1xf32> to vector<128x1024xf32>
    %gt3A_147 = arith.cmpf ogt, %gt3A_145, %gt3A_146 : vector<128x1024xf32>
    %and3A_148 = arith.andi %eq3A_144, %gt3A_147 : vector<128x1024xi1>
    %or3A = arith.ori %gt3A_141, %and3A_148 : vector<128x1024xi1>
    %eq3A_149 = vector.broadcast %slice3A_126 : vector<1x1024xf32> to vector<128x1024xf32>
    %eq3A_150 = vector.broadcast %slice3A_132 : vector<128x1xf32> to vector<128x1024xf32>
    %eq3A_151 = arith.cmpf oeq, %eq3A_149, %eq3A_150 : vector<128x1024xf32>
    %eq3A_152 = vector.broadcast %slice3A_127 : vector<1x1024xf32> to vector<128x1024xf32>
    %eq3A_153 = vector.broadcast %slice3A_133 : vector<128x1xf32> to vector<128x1024xf32>
    %eq3A_154 = arith.cmpf oeq, %eq3A_152, %eq3A_153 : vector<128x1024xf32>
    %and3A_155 = arith.andi %eq3A_151, %eq3A_154 : vector<128x1024xi1>
    %lt3A_156 = vector.broadcast %convert_element_type3A_129 : vector<1x1024xf32> to vector<128x1024xf32>
    %lt3A_157 = vector.broadcast %convert_element_type3A_138 : vector<128x1xf32> to vector<128x1024xf32>
    %lt3A_158 = arith.cmpf olt, %lt3A_156, %lt3A_157 : vector<128x1024xf32>
    %and3A_159 = arith.andi %and3A_155, %lt3A_158 : vector<128x1024xi1>
    %or3A_160 = arith.ori %or3A, %and3A_159 : vector<128x1024xi1>
    %convert_element_type3A_161 = arith.extui %or3A_160 : vector<128x1024xi1> to vector<128x1024xi32>
    %convert_element_type3A_162 = arith.sitofp %convert_element_type3A_161 : vector<128x1024xi32> to vector<128x1024xf32>
    %reduce_sum3A_163 = arith.constant dense<0.000000e+00> : vector<128xf32>
    %reduce_sum3A_164 = vector.multi_reduction <add>, %convert_element_type3A_162, %reduce_sum3A_163 [1] : vector<128x1024xf32> to vector<128xf32>
    %broadcast_in_dim3A_165 = vector.shape_cast %reduce_sum3A_164 : vector<128xf32> to vector<128x1xf32>
    %eq3A_166 = vector.broadcast %broadcast_in_dim3A_165 : vector<128x1xf32> to vector<128x1024xf32>
    %eq3A_167 = vector.broadcast %convert_element_type3A_129 : vector<1x1024xf32> to vector<128x1024xf32>
    %eq3A_168 = arith.cmpf oeq, %eq3A_166, %eq3A_167 : vector<128x1024xf32>
    %convert_element_type3A_169 = arith.extui %eq3A_168 : vector<128x1024xi1> to vector<128x1024xi32>
    %convert_element_type3A_170 = arith.sitofp %convert_element_type3A_169 : vector<128x1024xi32> to vector<128x1024xf32>
    %slice3A_171 = vector.extract_strided_slice %add3A_107 {offsets = [0, 0], sizes = [128, 1], strides = [1, 1]} : vector<1024x1xf32> to vector<128x1xf32>
    %dot_general3A_172 = arith.constant dense<0.000000e+00> : vector<1x1024xf32>
    %dot_general3A_173 = tpu.matmul %slice3A_171, %convert_element_type3A_170, %dot_general3A_172 {dimension_numbers = #tpu.dot_dimension_numbers<[0], [0], [1], [1], [0, 1, 1, 1], [], []>, precision = #tpu.contract_precision<fp32>, transpose_lhs_hint = false} : vector<128x1xf32>, vector<128x1024xf32>, vector<1x1024xf32> -> vector<1x1024xf32>
    %add3A_174 = arith.addf %broadcast_in_dim3A_131, %dot_general3A_173 : vector<1x1024xf32>
    %slice3A_175 = vector.extract_strided_slice %broadcast_in_dim3A_112 {offsets = [128, 0], sizes = [128, 1], strides = [1, 1]} : vector<1024x1xf32> to vector<128x1xf32>
    %slice3A_176 = vector.extract_strided_slice %broadcast_in_dim3A_117 {offsets = [128, 0], sizes = [128, 1], strides = [1, 1]} : vector<1024x1xf32> to vector<128x1xf32>
    %iota3A_177 = tpu.iota {dimensions = array<i32: 0>} : vector<128x1xi32>
    %add3A_178 = arith.constant 128 : i32
    %add3A_179 = vector.broadcast %add3A_178 : i32 to vector<128x1xi32>
    %add3A_180 = arith.addi %iota3A_177, %add3A_179 : vector<128x1xi32>
    %convert_element_type3A_181 = arith.sitofp %add3A_180 : vector<128x1xi32> to vector<128x1xf32>
    %gt3A_182 = vector.broadcast %slice3A_126 : vector<1x1024xf32> to vector<128x1024xf32>
    %gt3A_183 = vector.broadcast %slice3A_175 : vector<128x1xf32> to vector<128x1024xf32>
    %gt3A_184 = arith.cmpf ogt, %gt3A_182, %gt3A_183 : vector<128x1024xf32>
    %eq3A_185 = vector.broadcast %slice3A_126 : vector<1x1024xf32> to vector<128x1024xf32>
    %eq3A_186 = vector.broadcast %slice3A_175 : vector<128x1xf32> to vector<128x1024xf32>
    %eq3A_187 = arith.cmpf oeq, %eq3A_185, %eq3A_186 : vector<128x1024xf32>
    %gt3A_188 = vector.broadcast %slice3A_127 : vector<1x1024xf32> to vector<128x1024xf32>
    %gt3A_189 = vector.broadcast %slice3A_176 : vector<128x1xf32> to vector<128x1024xf32>
    %gt3A_190 = arith.cmpf ogt, %gt3A_188, %gt3A_189 : vector<128x1024xf32>
    %and3A_191 = arith.andi %eq3A_187, %gt3A_190 : vector<128x1024xi1>
    %or3A_192 = arith.ori %gt3A_184, %and3A_191 : vector<128x1024xi1>
    %eq3A_193 = vector.broadcast %slice3A_126 : vector<1x1024xf32> to vector<128x1024xf32>
    %eq3A_194 = vector.broadcast %slice3A_175 : vector<128x1xf32> to vector<128x1024xf32>
    %eq3A_195 = arith.cmpf oeq, %eq3A_193, %eq3A_194 : vector<128x1024xf32>
    %eq3A_196 = vector.broadcast %slice3A_127 : vector<1x1024xf32> to vector<128x1024xf32>
    %eq3A_197 = vector.broadcast %slice3A_176 : vector<128x1xf32> to vector<128x1024xf32>
    %eq3A_198 = arith.cmpf oeq, %eq3A_196, %eq3A_197 : vector<128x1024xf32>
    %and3A_199 = arith.andi %eq3A_195, %eq3A_198 : vector<128x1024xi1>
    %lt3A_200 = vector.broadcast %convert_element_type3A_129 : vector<1x1024xf32> to vector<128x1024xf32>
    %lt3A_201 = vector.broadcast %convert_element_type3A_181 : vector<128x1xf32> to vector<128x1024xf32>
    %lt3A_202 = arith.cmpf olt, %lt3A_200, %lt3A_201 : vector<128x1024xf32>
    %and3A_203 = arith.andi %and3A_199, %lt3A_202 : vector<128x1024xi1>
    %or3A_204 = arith.ori %or3A_192, %and3A_203 : vector<128x1024xi1>
    %convert_element_type3A_205 = arith.extui %or3A_204 : vector<128x1024xi1> to vector<128x1024xi32>
    %convert_element_type3A_206 = arith.sitofp %convert_element_type3A_205 : vector<128x1024xi32> to vector<128x1024xf32>
    %reduce_sum3A_207 = arith.constant dense<0.000000e+00> : vector<128xf32>
    %reduce_sum3A_208 = vector.multi_reduction <add>, %convert_element_type3A_206, %reduce_sum3A_207 [1] : vector<128x1024xf32> to vector<128xf32>
    %broadcast_in_dim3A_209 = vector.shape_cast %reduce_sum3A_208 : vector<128xf32> to vector<128x1xf32>
    %eq3A_210 = vector.broadcast %broadcast_in_dim3A_209 : vector<128x1xf32> to vector<128x1024xf32>
    %eq3A_211 = vector.broadcast %convert_element_type3A_129 : vector<1x1024xf32> to vector<128x1024xf32>
    %eq3A_212 = arith.cmpf oeq, %eq3A_210, %eq3A_211 : vector<128x1024xf32>
    %convert_element_type3A_213 = arith.extui %eq3A_212 : vector<128x1024xi1> to vector<128x1024xi32>
    %convert_element_type3A_214 = arith.sitofp %convert_element_type3A_213 : vector<128x1024xi32> to vector<128x1024xf32>
    %slice3A_215 = vector.extract_strided_slice %add3A_107 {offsets = [128, 0], sizes = [128, 1], strides = [1, 1]} : vector<1024x1xf32> to vector<128x1xf32>
    %dot_general3A_216 = arith.constant dense<0.000000e+00> : vector<1x1024xf32>
    %dot_general3A_217 = tpu.matmul %slice3A_215, %convert_element_type3A_214, %dot_general3A_216 {dimension_numbers = #tpu.dot_dimension_numbers<[0], [0], [1], [1], [0, 1, 1, 1], [], []>, precision = #tpu.contract_precision<fp32>, transpose_lhs_hint = false} : vector<128x1xf32>, vector<128x1024xf32>, vector<1x1024xf32> -> vector<1x1024xf32>
    %add3A_218 = arith.addf %add3A_174, %dot_general3A_217 : vector<1x1024xf32>
    %slice3A_219 = vector.extract_strided_slice %broadcast_in_dim3A_112 {offsets = [256, 0], sizes = [128, 1], strides = [1, 1]} : vector<1024x1xf32> to vector<128x1xf32>
    %slice3A_220 = vector.extract_strided_slice %broadcast_in_dim3A_117 {offsets = [256, 0], sizes = [128, 1], strides = [1, 1]} : vector<1024x1xf32> to vector<128x1xf32>
    %iota3A_221 = tpu.iota {dimensions = array<i32: 0>} : vector<128x1xi32>
    %add3A_222 = arith.constant 256 : i32
    %add3A_223 = vector.broadcast %add3A_222 : i32 to vector<128x1xi32>
    %add3A_224 = arith.addi %iota3A_221, %add3A_223 : vector<128x1xi32>
    %convert_element_type3A_225 = arith.sitofp %add3A_224 : vector<128x1xi32> to vector<128x1xf32>
    %gt3A_226 = vector.broadcast %slice3A_126 : vector<1x1024xf32> to vector<128x1024xf32>
    %gt3A_227 = vector.broadcast %slice3A_219 : vector<128x1xf32> to vector<128x1024xf32>
    %gt3A_228 = arith.cmpf ogt, %gt3A_226, %gt3A_227 : vector<128x1024xf32>
    %eq3A_229 = vector.broadcast %slice3A_126 : vector<1x1024xf32> to vector<128x1024xf32>
    %eq3A_230 = vector.broadcast %slice3A_219 : vector<128x1xf32> to vector<128x1024xf32>
    %eq3A_231 = arith.cmpf oeq, %eq3A_229, %eq3A_230 : vector<128x1024xf32>
    %gt3A_232 = vector.broadcast %slice3A_127 : vector<1x1024xf32> to vector<128x1024xf32>
    %gt3A_233 = vector.broadcast %slice3A_220 : vector<128x1xf32> to vector<128x1024xf32>
    %gt3A_234 = arith.cmpf ogt, %gt3A_232, %gt3A_233 : vector<128x1024xf32>
    %and3A_235 = arith.andi %eq3A_231, %gt3A_234 : vector<128x1024xi1>
    %or3A_236 = arith.ori %gt3A_228, %and3A_235 : vector<128x1024xi1>
    %eq3A_237 = vector.broadcast %slice3A_126 : vector<1x1024xf32> to vector<128x1024xf32>
    %eq3A_238 = vector.broadcast %slice3A_219 : vector<128x1xf32> to vector<128x1024xf32>
    %eq3A_239 = arith.cmpf oeq, %eq3A_237, %eq3A_238 : vector<128x1024xf32>
    %eq3A_240 = vector.broadcast %slice3A_127 : vector<1x1024xf32> to vector<128x1024xf32>
    %eq3A_241 = vector.broadcast %slice3A_220 : vector<128x1xf32> to vector<128x1024xf32>
    %eq3A_242 = arith.cmpf oeq, %eq3A_240, %eq3A_241 : vector<128x1024xf32>
    %and3A_243 = arith.andi %eq3A_239, %eq3A_242 : vector<128x1024xi1>
    %lt3A_244 = vector.broadcast %convert_element_type3A_129 : vector<1x1024xf32> to vector<128x1024xf32>
    %lt3A_245 = vector.broadcast %convert_element_type3A_225 : vector<128x1xf32> to vector<128x1024xf32>
    %lt3A_246 = arith.cmpf olt, %lt3A_244, %lt3A_245 : vector<128x1024xf32>
    %and3A_247 = arith.andi %and3A_243, %lt3A_246 : vector<128x1024xi1>
    %or3A_248 = arith.ori %or3A_236, %and3A_247 : vector<128x1024xi1>
    %convert_element_type3A_249 = arith.extui %or3A_248 : vector<128x1024xi1> to vector<128x1024xi32>
    %convert_element_type3A_250 = arith.sitofp %convert_element_type3A_249 : vector<128x1024xi32> to vector<128x1024xf32>
    %reduce_sum3A_251 = arith.constant dense<0.000000e+00> : vector<128xf32>
    %reduce_sum3A_252 = vector.multi_reduction <add>, %convert_element_type3A_250, %reduce_sum3A_251 [1] : vector<128x1024xf32> to vector<128xf32>
    %broadcast_in_dim3A_253 = vector.shape_cast %reduce_sum3A_252 : vector<128xf32> to vector<128x1xf32>
    %eq3A_254 = vector.broadcast %broadcast_in_dim3A_253 : vector<128x1xf32> to vector<128x1024xf32>
    %eq3A_255 = vector.broadcast %convert_element_type3A_129 : vector<1x1024xf32> to vector<128x1024xf32>
    %eq3A_256 = arith.cmpf oeq, %eq3A_254, %eq3A_255 : vector<128x1024xf32>
    %convert_element_type3A_257 = arith.extui %eq3A_256 : vector<128x1024xi1> to vector<128x1024xi32>
    %convert_element_type3A_258 = arith.sitofp %convert_element_type3A_257 : vector<128x1024xi32> to vector<128x1024xf32>
    %slice3A_259 = vector.extract_strided_slice %add3A_107 {offsets = [256, 0], sizes = [128, 1], strides = [1, 1]} : vector<1024x1xf32> to vector<128x1xf32>
    %dot_general3A_260 = arith.constant dense<0.000000e+00> : vector<1x1024xf32>
    %dot_general3A_261 = tpu.matmul %slice3A_259, %convert_element_type3A_258, %dot_general3A_260 {dimension_numbers = #tpu.dot_dimension_numbers<[0], [0], [1], [1], [0, 1, 1, 1], [], []>, precision = #tpu.contract_precision<fp32>, transpose_lhs_hint = false} : vector<128x1xf32>, vector<128x1024xf32>, vector<1x1024xf32> -> vector<1x1024xf32>
    %add3A_262 = arith.addf %add3A_218, %dot_general3A_261 : vector<1x1024xf32>
    %slice3A_263 = vector.extract_strided_slice %broadcast_in_dim3A_112 {offsets = [384, 0], sizes = [128, 1], strides = [1, 1]} : vector<1024x1xf32> to vector<128x1xf32>
    %slice3A_264 = vector.extract_strided_slice %broadcast_in_dim3A_117 {offsets = [384, 0], sizes = [128, 1], strides = [1, 1]} : vector<1024x1xf32> to vector<128x1xf32>
    %iota3A_265 = tpu.iota {dimensions = array<i32: 0>} : vector<128x1xi32>
    %add3A_266 = arith.constant 384 : i32
    %add3A_267 = vector.broadcast %add3A_266 : i32 to vector<128x1xi32>
    %add3A_268 = arith.addi %iota3A_265, %add3A_267 : vector<128x1xi32>
    %convert_element_type3A_269 = arith.sitofp %add3A_268 : vector<128x1xi32> to vector<128x1xf32>
    %gt3A_270 = vector.broadcast %slice3A_126 : vector<1x1024xf32> to vector<128x1024xf32>
    %gt3A_271 = vector.broadcast %slice3A_263 : vector<128x1xf32> to vector<128x1024xf32>
    %gt3A_272 = arith.cmpf ogt, %gt3A_270, %gt3A_271 : vector<128x1024xf32>
    %eq3A_273 = vector.broadcast %slice3A_126 : vector<1x1024xf32> to vector<128x1024xf32>
    %eq3A_274 = vector.broadcast %slice3A_263 : vector<128x1xf32> to vector<128x1024xf32>
    %eq3A_275 = arith.cmpf oeq, %eq3A_273, %eq3A_274 : vector<128x1024xf32>
    %gt3A_276 = vector.broadcast %slice3A_127 : vector<1x1024xf32> to vector<128x1024xf32>
    %gt3A_277 = vector.broadcast %slice3A_264 : vector<128x1xf32> to vector<128x1024xf32>
    %gt3A_278 = arith.cmpf ogt, %gt3A_276, %gt3A_277 : vector<128x1024xf32>
    %and3A_279 = arith.andi %eq3A_275, %gt3A_278 : vector<128x1024xi1>
    %or3A_280 = arith.ori %gt3A_272, %and3A_279 : vector<128x1024xi1>
    %eq3A_281 = vector.broadcast %slice3A_126 : vector<1x1024xf32> to vector<128x1024xf32>
    %eq3A_282 = vector.broadcast %slice3A_263 : vector<128x1xf32> to vector<128x1024xf32>
    %eq3A_283 = arith.cmpf oeq, %eq3A_281, %eq3A_282 : vector<128x1024xf32>
    %eq3A_284 = vector.broadcast %slice3A_127 : vector<1x1024xf32> to vector<128x1024xf32>
    %eq3A_285 = vector.broadcast %slice3A_264 : vector<128x1xf32> to vector<128x1024xf32>
    %eq3A_286 = arith.cmpf oeq, %eq3A_284, %eq3A_285 : vector<128x1024xf32>
    %and3A_287 = arith.andi %eq3A_283, %eq3A_286 : vector<128x1024xi1>
    %lt3A_288 = vector.broadcast %convert_element_type3A_129 : vector<1x1024xf32> to vector<128x1024xf32>
    %lt3A_289 = vector.broadcast %convert_element_type3A_269 : vector<128x1xf32> to vector<128x1024xf32>
    %lt3A_290 = arith.cmpf olt, %lt3A_288, %lt3A_289 : vector<128x1024xf32>
    %and3A_291 = arith.andi %and3A_287, %lt3A_290 : vector<128x1024xi1>
    %or3A_292 = arith.ori %or3A_280, %and3A_291 : vector<128x1024xi1>
    %convert_element_type3A_293 = arith.extui %or3A_292 : vector<128x1024xi1> to vector<128x1024xi32>
    %convert_element_type3A_294 = arith.sitofp %convert_element_type3A_293 : vector<128x1024xi32> to vector<128x1024xf32>
    %reduce_sum3A_295 = arith.constant dense<0.000000e+00> : vector<128xf32>
    %reduce_sum3A_296 = vector.multi_reduction <add>, %convert_element_type3A_294, %reduce_sum3A_295 [1] : vector<128x1024xf32> to vector<128xf32>
    %broadcast_in_dim3A_297 = vector.shape_cast %reduce_sum3A_296 : vector<128xf32> to vector<128x1xf32>
    %eq3A_298 = vector.broadcast %broadcast_in_dim3A_297 : vector<128x1xf32> to vector<128x1024xf32>
    %eq3A_299 = vector.broadcast %convert_element_type3A_129 : vector<1x1024xf32> to vector<128x1024xf32>
    %eq3A_300 = arith.cmpf oeq, %eq3A_298, %eq3A_299 : vector<128x1024xf32>
    %convert_element_type3A_301 = arith.extui %eq3A_300 : vector<128x1024xi1> to vector<128x1024xi32>
    %convert_element_type3A_302 = arith.sitofp %convert_element_type3A_301 : vector<128x1024xi32> to vector<128x1024xf32>
    %slice3A_303 = vector.extract_strided_slice %add3A_107 {offsets = [384, 0], sizes = [128, 1], strides = [1, 1]} : vector<1024x1xf32> to vector<128x1xf32>
    %dot_general3A_304 = arith.constant dense<0.000000e+00> : vector<1x1024xf32>
    %dot_general3A_305 = tpu.matmul %slice3A_303, %convert_element_type3A_302, %dot_general3A_304 {dimension_numbers = #tpu.dot_dimension_numbers<[0], [0], [1], [1], [0, 1, 1, 1], [], []>, precision = #tpu.contract_precision<fp32>, transpose_lhs_hint = false} : vector<128x1xf32>, vector<128x1024xf32>, vector<1x1024xf32> -> vector<1x1024xf32>
    %add3A_306 = arith.addf %add3A_262, %dot_general3A_305 : vector<1x1024xf32>
    %slice3A_307 = vector.extract_strided_slice %broadcast_in_dim3A_112 {offsets = [512, 0], sizes = [128, 1], strides = [1, 1]} : vector<1024x1xf32> to vector<128x1xf32>
    %slice3A_308 = vector.extract_strided_slice %broadcast_in_dim3A_117 {offsets = [512, 0], sizes = [128, 1], strides = [1, 1]} : vector<1024x1xf32> to vector<128x1xf32>
    %iota3A_309 = tpu.iota {dimensions = array<i32: 0>} : vector<128x1xi32>
    %add3A_310 = arith.constant 512 : i32
    %add3A_311 = vector.broadcast %add3A_310 : i32 to vector<128x1xi32>
    %add3A_312 = arith.addi %iota3A_309, %add3A_311 : vector<128x1xi32>
    %convert_element_type3A_313 = arith.sitofp %add3A_312 : vector<128x1xi32> to vector<128x1xf32>
    %gt3A_314 = vector.broadcast %slice3A_126 : vector<1x1024xf32> to vector<128x1024xf32>
    %gt3A_315 = vector.broadcast %slice3A_307 : vector<128x1xf32> to vector<128x1024xf32>
    %gt3A_316 = arith.cmpf ogt, %gt3A_314, %gt3A_315 : vector<128x1024xf32>
    %eq3A_317 = vector.broadcast %slice3A_126 : vector<1x1024xf32> to vector<128x1024xf32>
    %eq3A_318 = vector.broadcast %slice3A_307 : vector<128x1xf32> to vector<128x1024xf32>
    %eq3A_319 = arith.cmpf oeq, %eq3A_317, %eq3A_318 : vector<128x1024xf32>
    %gt3A_320 = vector.broadcast %slice3A_127 : vector<1x1024xf32> to vector<128x1024xf32>
    %gt3A_321 = vector.broadcast %slice3A_308 : vector<128x1xf32> to vector<128x1024xf32>
    %gt3A_322 = arith.cmpf ogt, %gt3A_320, %gt3A_321 : vector<128x1024xf32>
    %and3A_323 = arith.andi %eq3A_319, %gt3A_322 : vector<128x1024xi1>
    %or3A_324 = arith.ori %gt3A_316, %and3A_323 : vector<128x1024xi1>
    %eq3A_325 = vector.broadcast %slice3A_126 : vector<1x1024xf32> to vector<128x1024xf32>
    %eq3A_326 = vector.broadcast %slice3A_307 : vector<128x1xf32> to vector<128x1024xf32>
    %eq3A_327 = arith.cmpf oeq, %eq3A_325, %eq3A_326 : vector<128x1024xf32>
    %eq3A_328 = vector.broadcast %slice3A_127 : vector<1x1024xf32> to vector<128x1024xf32>
    %eq3A_329 = vector.broadcast %slice3A_308 : vector<128x1xf32> to vector<128x1024xf32>
    %eq3A_330 = arith.cmpf oeq, %eq3A_328, %eq3A_329 : vector<128x1024xf32>
    %and3A_331 = arith.andi %eq3A_327, %eq3A_330 : vector<128x1024xi1>
    %lt3A_332 = vector.broadcast %convert_element_type3A_129 : vector<1x1024xf32> to vector<128x1024xf32>
    %lt3A_333 = vector.broadcast %convert_element_type3A_313 : vector<128x1xf32> to vector<128x1024xf32>
    %lt3A_334 = arith.cmpf olt, %lt3A_332, %lt3A_333 : vector<128x1024xf32>
    %and3A_335 = arith.andi %and3A_331, %lt3A_334 : vector<128x1024xi1>
    %or3A_336 = arith.ori %or3A_324, %and3A_335 : vector<128x1024xi1>
    %convert_element_type3A_337 = arith.extui %or3A_336 : vector<128x1024xi1> to vector<128x1024xi32>
    %convert_element_type3A_338 = arith.sitofp %convert_element_type3A_337 : vector<128x1024xi32> to vector<128x1024xf32>
    %reduce_sum3A_339 = arith.constant dense<0.000000e+00> : vector<128xf32>
    %reduce_sum3A_340 = vector.multi_reduction <add>, %convert_element_type3A_338, %reduce_sum3A_339 [1] : vector<128x1024xf32> to vector<128xf32>
    %broadcast_in_dim3A_341 = vector.shape_cast %reduce_sum3A_340 : vector<128xf32> to vector<128x1xf32>
    %eq3A_342 = vector.broadcast %broadcast_in_dim3A_341 : vector<128x1xf32> to vector<128x1024xf32>
    %eq3A_343 = vector.broadcast %convert_element_type3A_129 : vector<1x1024xf32> to vector<128x1024xf32>
    %eq3A_344 = arith.cmpf oeq, %eq3A_342, %eq3A_343 : vector<128x1024xf32>
    %convert_element_type3A_345 = arith.extui %eq3A_344 : vector<128x1024xi1> to vector<128x1024xi32>
    %convert_element_type3A_346 = arith.sitofp %convert_element_type3A_345 : vector<128x1024xi32> to vector<128x1024xf32>
    %slice3A_347 = vector.extract_strided_slice %add3A_107 {offsets = [512, 0], sizes = [128, 1], strides = [1, 1]} : vector<1024x1xf32> to vector<128x1xf32>
    %dot_general3A_348 = arith.constant dense<0.000000e+00> : vector<1x1024xf32>
    %dot_general3A_349 = tpu.matmul %slice3A_347, %convert_element_type3A_346, %dot_general3A_348 {dimension_numbers = #tpu.dot_dimension_numbers<[0], [0], [1], [1], [0, 1, 1, 1], [], []>, precision = #tpu.contract_precision<fp32>, transpose_lhs_hint = false} : vector<128x1xf32>, vector<128x1024xf32>, vector<1x1024xf32> -> vector<1x1024xf32>
    %add3A_350 = arith.addf %add3A_306, %dot_general3A_349 : vector<1x1024xf32>
    %slice3A_351 = vector.extract_strided_slice %broadcast_in_dim3A_112 {offsets = [640, 0], sizes = [128, 1], strides = [1, 1]} : vector<1024x1xf32> to vector<128x1xf32>
    %slice3A_352 = vector.extract_strided_slice %broadcast_in_dim3A_117 {offsets = [640, 0], sizes = [128, 1], strides = [1, 1]} : vector<1024x1xf32> to vector<128x1xf32>
    %iota3A_353 = tpu.iota {dimensions = array<i32: 0>} : vector<128x1xi32>
    %add3A_354 = arith.constant 640 : i32
    %add3A_355 = vector.broadcast %add3A_354 : i32 to vector<128x1xi32>
    %add3A_356 = arith.addi %iota3A_353, %add3A_355 : vector<128x1xi32>
    %convert_element_type3A_357 = arith.sitofp %add3A_356 : vector<128x1xi32> to vector<128x1xf32>
    %gt3A_358 = vector.broadcast %slice3A_126 : vector<1x1024xf32> to vector<128x1024xf32>
    %gt3A_359 = vector.broadcast %slice3A_351 : vector<128x1xf32> to vector<128x1024xf32>
    %gt3A_360 = arith.cmpf ogt, %gt3A_358, %gt3A_359 : vector<128x1024xf32>
    %eq3A_361 = vector.broadcast %slice3A_126 : vector<1x1024xf32> to vector<128x1024xf32>
    %eq3A_362 = vector.broadcast %slice3A_351 : vector<128x1xf32> to vector<128x1024xf32>
    %eq3A_363 = arith.cmpf oeq, %eq3A_361, %eq3A_362 : vector<128x1024xf32>
    %gt3A_364 = vector.broadcast %slice3A_127 : vector<1x1024xf32> to vector<128x1024xf32>
    %gt3A_365 = vector.broadcast %slice3A_352 : vector<128x1xf32> to vector<128x1024xf32>
    %gt3A_366 = arith.cmpf ogt, %gt3A_364, %gt3A_365 : vector<128x1024xf32>
    %and3A_367 = arith.andi %eq3A_363, %gt3A_366 : vector<128x1024xi1>
    %or3A_368 = arith.ori %gt3A_360, %and3A_367 : vector<128x1024xi1>
    %eq3A_369 = vector.broadcast %slice3A_126 : vector<1x1024xf32> to vector<128x1024xf32>
    %eq3A_370 = vector.broadcast %slice3A_351 : vector<128x1xf32> to vector<128x1024xf32>
    %eq3A_371 = arith.cmpf oeq, %eq3A_369, %eq3A_370 : vector<128x1024xf32>
    %eq3A_372 = vector.broadcast %slice3A_127 : vector<1x1024xf32> to vector<128x1024xf32>
    %eq3A_373 = vector.broadcast %slice3A_352 : vector<128x1xf32> to vector<128x1024xf32>
    %eq3A_374 = arith.cmpf oeq, %eq3A_372, %eq3A_373 : vector<128x1024xf32>
    %and3A_375 = arith.andi %eq3A_371, %eq3A_374 : vector<128x1024xi1>
    %lt3A_376 = vector.broadcast %convert_element_type3A_129 : vector<1x1024xf32> to vector<128x1024xf32>
    %lt3A_377 = vector.broadcast %convert_element_type3A_357 : vector<128x1xf32> to vector<128x1024xf32>
    %lt3A_378 = arith.cmpf olt, %lt3A_376, %lt3A_377 : vector<128x1024xf32>
    %and3A_379 = arith.andi %and3A_375, %lt3A_378 : vector<128x1024xi1>
    %or3A_380 = arith.ori %or3A_368, %and3A_379 : vector<128x1024xi1>
    %convert_element_type3A_381 = arith.extui %or3A_380 : vector<128x1024xi1> to vector<128x1024xi32>
    %convert_element_type3A_382 = arith.sitofp %convert_element_type3A_381 : vector<128x1024xi32> to vector<128x1024xf32>
    %reduce_sum3A_383 = arith.constant dense<0.000000e+00> : vector<128xf32>
    %reduce_sum3A_384 = vector.multi_reduction <add>, %convert_element_type3A_382, %reduce_sum3A_383 [1] : vector<128x1024xf32> to vector<128xf32>
    %broadcast_in_dim3A_385 = vector.shape_cast %reduce_sum3A_384 : vector<128xf32> to vector<128x1xf32>
    %eq3A_386 = vector.broadcast %broadcast_in_dim3A_385 : vector<128x1xf32> to vector<128x1024xf32>
    %eq3A_387 = vector.broadcast %convert_element_type3A_129 : vector<1x1024xf32> to vector<128x1024xf32>
    %eq3A_388 = arith.cmpf oeq, %eq3A_386, %eq3A_387 : vector<128x1024xf32>
    %convert_element_type3A_389 = arith.extui %eq3A_388 : vector<128x1024xi1> to vector<128x1024xi32>
    %convert_element_type3A_390 = arith.sitofp %convert_element_type3A_389 : vector<128x1024xi32> to vector<128x1024xf32>
    %slice3A_391 = vector.extract_strided_slice %add3A_107 {offsets = [640, 0], sizes = [128, 1], strides = [1, 1]} : vector<1024x1xf32> to vector<128x1xf32>
    %dot_general3A_392 = arith.constant dense<0.000000e+00> : vector<1x1024xf32>
    %dot_general3A_393 = tpu.matmul %slice3A_391, %convert_element_type3A_390, %dot_general3A_392 {dimension_numbers = #tpu.dot_dimension_numbers<[0], [0], [1], [1], [0, 1, 1, 1], [], []>, precision = #tpu.contract_precision<fp32>, transpose_lhs_hint = false} : vector<128x1xf32>, vector<128x1024xf32>, vector<1x1024xf32> -> vector<1x1024xf32>
    %add3A_394 = arith.addf %add3A_350, %dot_general3A_393 : vector<1x1024xf32>
    %slice3A_395 = vector.extract_strided_slice %broadcast_in_dim3A_112 {offsets = [768, 0], sizes = [128, 1], strides = [1, 1]} : vector<1024x1xf32> to vector<128x1xf32>
    %slice3A_396 = vector.extract_strided_slice %broadcast_in_dim3A_117 {offsets = [768, 0], sizes = [128, 1], strides = [1, 1]} : vector<1024x1xf32> to vector<128x1xf32>
    %iota3A_397 = tpu.iota {dimensions = array<i32: 0>} : vector<128x1xi32>
    %add3A_398 = arith.constant 768 : i32
    %add3A_399 = vector.broadcast %add3A_398 : i32 to vector<128x1xi32>
    %add3A_400 = arith.addi %iota3A_397, %add3A_399 : vector<128x1xi32>
    %convert_element_type3A_401 = arith.sitofp %add3A_400 : vector<128x1xi32> to vector<128x1xf32>
    %gt3A_402 = vector.broadcast %slice3A_126 : vector<1x1024xf32> to vector<128x1024xf32>
    %gt3A_403 = vector.broadcast %slice3A_395 : vector<128x1xf32> to vector<128x1024xf32>
    %gt3A_404 = arith.cmpf ogt, %gt3A_402, %gt3A_403 : vector<128x1024xf32>
    %eq3A_405 = vector.broadcast %slice3A_126 : vector<1x1024xf32> to vector<128x1024xf32>
    %eq3A_406 = vector.broadcast %slice3A_395 : vector<128x1xf32> to vector<128x1024xf32>
    %eq3A_407 = arith.cmpf oeq, %eq3A_405, %eq3A_406 : vector<128x1024xf32>
    %gt3A_408 = vector.broadcast %slice3A_127 : vector<1x1024xf32> to vector<128x1024xf32>
    %gt3A_409 = vector.broadcast %slice3A_396 : vector<128x1xf32> to vector<128x1024xf32>
    %gt3A_410 = arith.cmpf ogt, %gt3A_408, %gt3A_409 : vector<128x1024xf32>
    %and3A_411 = arith.andi %eq3A_407, %gt3A_410 : vector<128x1024xi1>
    %or3A_412 = arith.ori %gt3A_404, %and3A_411 : vector<128x1024xi1>
    %eq3A_413 = vector.broadcast %slice3A_126 : vector<1x1024xf32> to vector<128x1024xf32>
    %eq3A_414 = vector.broadcast %slice3A_395 : vector<128x1xf32> to vector<128x1024xf32>
    %eq3A_415 = arith.cmpf oeq, %eq3A_413, %eq3A_414 : vector<128x1024xf32>
    %eq3A_416 = vector.broadcast %slice3A_127 : vector<1x1024xf32> to vector<128x1024xf32>
    %eq3A_417 = vector.broadcast %slice3A_396 : vector<128x1xf32> to vector<128x1024xf32>
    %eq3A_418 = arith.cmpf oeq, %eq3A_416, %eq3A_417 : vector<128x1024xf32>
    %and3A_419 = arith.andi %eq3A_415, %eq3A_418 : vector<128x1024xi1>
    %lt3A_420 = vector.broadcast %convert_element_type3A_129 : vector<1x1024xf32> to vector<128x1024xf32>
    %lt3A_421 = vector.broadcast %convert_element_type3A_401 : vector<128x1xf32> to vector<128x1024xf32>
    %lt3A_422 = arith.cmpf olt, %lt3A_420, %lt3A_421 : vector<128x1024xf32>
    %and3A_423 = arith.andi %and3A_419, %lt3A_422 : vector<128x1024xi1>
    %or3A_424 = arith.ori %or3A_412, %and3A_423 : vector<128x1024xi1>
    %convert_element_type3A_425 = arith.extui %or3A_424 : vector<128x1024xi1> to vector<128x1024xi32>
    %convert_element_type3A_426 = arith.sitofp %convert_element_type3A_425 : vector<128x1024xi32> to vector<128x1024xf32>
    %reduce_sum3A_427 = arith.constant dense<0.000000e+00> : vector<128xf32>
    %reduce_sum3A_428 = vector.multi_reduction <add>, %convert_element_type3A_426, %reduce_sum3A_427 [1] : vector<128x1024xf32> to vector<128xf32>
    %broadcast_in_dim3A_429 = vector.shape_cast %reduce_sum3A_428 : vector<128xf32> to vector<128x1xf32>
    %eq3A_430 = vector.broadcast %broadcast_in_dim3A_429 : vector<128x1xf32> to vector<128x1024xf32>
    %eq3A_431 = vector.broadcast %convert_element_type3A_129 : vector<1x1024xf32> to vector<128x1024xf32>
    %eq3A_432 = arith.cmpf oeq, %eq3A_430, %eq3A_431 : vector<128x1024xf32>
    %convert_element_type3A_433 = arith.extui %eq3A_432 : vector<128x1024xi1> to vector<128x1024xi32>
    %convert_element_type3A_434 = arith.sitofp %convert_element_type3A_433 : vector<128x1024xi32> to vector<128x1024xf32>
    %slice3A_435 = vector.extract_strided_slice %add3A_107 {offsets = [768, 0], sizes = [128, 1], strides = [1, 1]} : vector<1024x1xf32> to vector<128x1xf32>
    %dot_general3A_436 = arith.constant dense<0.000000e+00> : vector<1x1024xf32>
    %dot_general3A_437 = tpu.matmul %slice3A_435, %convert_element_type3A_434, %dot_general3A_436 {dimension_numbers = #tpu.dot_dimension_numbers<[0], [0], [1], [1], [0, 1, 1, 1], [], []>, precision = #tpu.contract_precision<fp32>, transpose_lhs_hint = false} : vector<128x1xf32>, vector<128x1024xf32>, vector<1x1024xf32> -> vector<1x1024xf32>
    %add3A_438 = arith.addf %add3A_394, %dot_general3A_437 : vector<1x1024xf32>
    %slice3A_439 = vector.extract_strided_slice %broadcast_in_dim3A_112 {offsets = [896, 0], sizes = [128, 1], strides = [1, 1]} : vector<1024x1xf32> to vector<128x1xf32>
    %slice3A_440 = vector.extract_strided_slice %broadcast_in_dim3A_117 {offsets = [896, 0], sizes = [128, 1], strides = [1, 1]} : vector<1024x1xf32> to vector<128x1xf32>
    %iota3A_441 = tpu.iota {dimensions = array<i32: 0>} : vector<128x1xi32>
    %add3A_442 = arith.constant 896 : i32
    %add3A_443 = vector.broadcast %add3A_442 : i32 to vector<128x1xi32>
    %add3A_444 = arith.addi %iota3A_441, %add3A_443 : vector<128x1xi32>
    %convert_element_type3A_445 = arith.sitofp %add3A_444 : vector<128x1xi32> to vector<128x1xf32>
    %gt3A_446 = vector.broadcast %slice3A_126 : vector<1x1024xf32> to vector<128x1024xf32>
    %gt3A_447 = vector.broadcast %slice3A_439 : vector<128x1xf32> to vector<128x1024xf32>
    %gt3A_448 = arith.cmpf ogt, %gt3A_446, %gt3A_447 : vector<128x1024xf32>
    %eq3A_449 = vector.broadcast %slice3A_126 : vector<1x1024xf32> to vector<128x1024xf32>
    %eq3A_450 = vector.broadcast %slice3A_439 : vector<128x1xf32> to vector<128x1024xf32>
    %eq3A_451 = arith.cmpf oeq, %eq3A_449, %eq3A_450 : vector<128x1024xf32>
    %gt3A_452 = vector.broadcast %slice3A_127 : vector<1x1024xf32> to vector<128x1024xf32>
    %gt3A_453 = vector.broadcast %slice3A_440 : vector<128x1xf32> to vector<128x1024xf32>
    %gt3A_454 = arith.cmpf ogt, %gt3A_452, %gt3A_453 : vector<128x1024xf32>
    %and3A_455 = arith.andi %eq3A_451, %gt3A_454 : vector<128x1024xi1>
    %or3A_456 = arith.ori %gt3A_448, %and3A_455 : vector<128x1024xi1>
    %eq3A_457 = vector.broadcast %slice3A_126 : vector<1x1024xf32> to vector<128x1024xf32>
    %eq3A_458 = vector.broadcast %slice3A_439 : vector<128x1xf32> to vector<128x1024xf32>
    %eq3A_459 = arith.cmpf oeq, %eq3A_457, %eq3A_458 : vector<128x1024xf32>
    %eq3A_460 = vector.broadcast %slice3A_127 : vector<1x1024xf32> to vector<128x1024xf32>
    %eq3A_461 = vector.broadcast %slice3A_440 : vector<128x1xf32> to vector<128x1024xf32>
    %eq3A_462 = arith.cmpf oeq, %eq3A_460, %eq3A_461 : vector<128x1024xf32>
    %and3A_463 = arith.andi %eq3A_459, %eq3A_462 : vector<128x1024xi1>
    %lt3A_464 = vector.broadcast %convert_element_type3A_129 : vector<1x1024xf32> to vector<128x1024xf32>
    %lt3A_465 = vector.broadcast %convert_element_type3A_445 : vector<128x1xf32> to vector<128x1024xf32>
    %lt3A_466 = arith.cmpf olt, %lt3A_464, %lt3A_465 : vector<128x1024xf32>
    %and3A_467 = arith.andi %and3A_463, %lt3A_466 : vector<128x1024xi1>
    %or3A_468 = arith.ori %or3A_456, %and3A_467 : vector<128x1024xi1>
    %convert_element_type3A_469 = arith.extui %or3A_468 : vector<128x1024xi1> to vector<128x1024xi32>
    %convert_element_type3A_470 = arith.sitofp %convert_element_type3A_469 : vector<128x1024xi32> to vector<128x1024xf32>
    %reduce_sum3A_471 = arith.constant dense<0.000000e+00> : vector<128xf32>
    %reduce_sum3A_472 = vector.multi_reduction <add>, %convert_element_type3A_470, %reduce_sum3A_471 [1] : vector<128x1024xf32> to vector<128xf32>
    %broadcast_in_dim3A_473 = vector.shape_cast %reduce_sum3A_472 : vector<128xf32> to vector<128x1xf32>
    %eq3A_474 = vector.broadcast %broadcast_in_dim3A_473 : vector<128x1xf32> to vector<128x1024xf32>
    %eq3A_475 = vector.broadcast %convert_element_type3A_129 : vector<1x1024xf32> to vector<128x1024xf32>
    %eq3A_476 = arith.cmpf oeq, %eq3A_474, %eq3A_475 : vector<128x1024xf32>
    %convert_element_type3A_477 = arith.extui %eq3A_476 : vector<128x1024xi1> to vector<128x1024xi32>
    %convert_element_type3A_478 = arith.sitofp %convert_element_type3A_477 : vector<128x1024xi32> to vector<128x1024xf32>
    %slice3A_479 = vector.extract_strided_slice %add3A_107 {offsets = [896, 0], sizes = [128, 1], strides = [1, 1]} : vector<1024x1xf32> to vector<128x1xf32>
    %dot_general3A_480 = arith.constant dense<0.000000e+00> : vector<1x1024xf32>
    %dot_general3A_481 = tpu.matmul %slice3A_479, %convert_element_type3A_478, %dot_general3A_480 {dimension_numbers = #tpu.dot_dimension_numbers<[0], [0], [1], [1], [0, 1, 1, 1], [], []>, precision = #tpu.contract_precision<fp32>, transpose_lhs_hint = false} : vector<128x1xf32>, vector<128x1024xf32>, vector<1x1024xf32> -> vector<1x1024xf32>
    %add3A_482 = arith.addf %add3A_438, %dot_general3A_481 : vector<1x1024xf32>
    %squeeze3A = vector.shape_cast %add3A_482 : vector<1x1024xf32> to vector<1024xf32>
    %convert_element_type3A_483 = arith.fptosi %squeeze3A : vector<1024xf32> to vector<1024xi32>
    %swap3A = arith.constant 0 : index
    %swap3A_484 = arith.constant 0 : index
    %swap3A_485 = arith.constant 0 : index
    %swap3A_486 = vector.load %arg2[%swap3A, %swap3A_484, %swap3A_485] : memref<1x1x1024xi32, #tpu.memory_space<vmem>>, vector<1x1x1024xi32>
    %swap3A_487 = vector.shape_cast %swap3A_486 : vector<1x1x1024xi32> to vector<1024xi32>
    %swap3A_488 = vector.shape_cast %convert_element_type3A_483 : vector<1024xi32> to vector<1x1x1024xi32>
    tpu.vector_store %arg2[%swap3A, %swap3A_484, %swap3A_485], %swap3A_488 {strides = array<i32>} : memref<1x1x1024xi32, #tpu.memory_space<vmem>>, vector<1x1x1024xi32>,
    return
  }
  func.func @transform_0(%arg0: i32) -> (i32, i32, i32) {
    %c0_i32 = arith.constant 0 : i32
    %c0_i32_0 = arith.constant 0 : i32
    %c0_i32_1 = arith.constant 0 : i32
    return %arg0, %c0_i32, %c0_i32_0 : i32, i32, i32
  }
  func.func @transform_1(%arg0: i32) -> (i32, i32, i32) {
    %c0_i32 = arith.constant 0 : i32
    %c0_i32_0 = arith.constant 0 : i32
    %c0_i32_1 = arith.constant 0 : i32
    return %arg0, %c0_i32, %c0_i32_0 : i32, i32, i32
  }
}

module attributes {stable_mosaic.version = 14 : i64} {
  func.func @_out_body(%arg0: i32, %arg1: i32, %arg2: memref<1x256x256xf32, #tpu.memory_space<vmem>>, %arg3: memref<256x256xf32, #tpu.memory_space<vmem>>, %arg4: memref<256x1xf32, #tpu.memory_space<vmem>>, %arg5: memref<256x1xf32, #tpu.memory_space<vmem>>, %arg6: memref<256x1xf32, #tpu.memory_space<vmem>>, %arg7: memref<1x256x256xf32, #tpu.memory_space<vmem>>) attributes {dimension_semantics = [#tpu.dimension_semantics<arbitrary>, #tpu.dimension_semantics<arbitrary>], iteration_bounds = array<i64: 8, 4>, scalar_prefetch = 0 : i64, scratch_operands = 0 : i64, tpu.core_type = #tpu.core_type<tc>, window_params = [{transform_indices = @transform_0, window_bounds = array<i64: 1, 256, 256>}, {pipeline_mode = #tpu.pipeline_mode<synchronous>, transform_indices = @transform_1, window_bounds = array<i64: 256, 256>}, {pipeline_mode = #tpu.pipeline_mode<synchronous>, transform_indices = @transform_2, window_bounds = array<i64: 256, 1>}, {pipeline_mode = #tpu.pipeline_mode<synchronous>, transform_indices = @transform_3, window_bounds = array<i64: 256, 1>}, {pipeline_mode = #tpu.pipeline_mode<synchronous>, transform_indices = @transform_4, window_bounds = array<i64: 256, 1>}, {transform_indices = @transform_5, window_bounds = array<i64: 1, 256, 256>}]} {
    %get3A = arith.constant 0 : index
    %get3A_0 = arith.constant 0 : index
    %get3A_1 = arith.constant 0 : index
    %get3A_2 = vector.load %arg2[%get3A, %get3A_0, %get3A_1] : memref<1x256x256xf32, #tpu.memory_space<vmem>>, vector<1x256x256xf32>
    %get3A_3 = vector.shape_cast %get3A_2 : vector<1x256x256xf32> to vector<256x256xf32>
    %get3A_4 = arith.constant 0 : index
    %get3A_5 = arith.constant 0 : index
    %get3A_6 = vector.load %arg3[%get3A_4, %get3A_5] : memref<256x256xf32, #tpu.memory_space<vmem>>, vector<256x256xf32>
    %dot_general3A = arith.constant dense<0.000000e+00> : vector<256x256xf32>
    %dot_general3A_7 = tpu.matmul %get3A_6, %get3A_3, %dot_general3A {dimension_numbers = #tpu.dot_dimension_numbers<[0], [0], [1], [1], [0, 1, 1, 1], [], []>, transpose_lhs_hint = false} : vector<256x256xf32>, vector<256x256xf32>, vector<256x256xf32> -> vector<256x256xf32>
    %get3A_8 = arith.constant 0 : index
    %get3A_9 = arith.constant 0 : index
    %get3A_10 = vector.load %arg4[%get3A_8, %get3A_9] : memref<256x1xf32, #tpu.memory_space<vmem>>, vector<256x1xf32>
    %add3A = vector.broadcast %get3A_10 : vector<256x1xf32> to vector<256x256xf32>
    %add3A_11 = arith.addf %dot_general3A_7, %add3A : vector<256x256xf32>
    %reduce_sum3A = arith.constant dense<0.000000e+00> : vector<256xf32>
    %reduce_sum3A_12 = vector.multi_reduction <add>, %add3A_11, %reduce_sum3A [0] : vector<256x256xf32> to vector<256xf32>
    %broadcast_in_dim3A = vector.shape_cast %reduce_sum3A_12 : vector<256xf32> to vector<1x256xf32>
    %div3A = arith.constant 2.560000e+02 : f32
    %div3A_13 = vector.broadcast %div3A : f32 to vector<1x256xf32>
    %div3A_14 = arith.divf %broadcast_in_dim3A, %div3A_13 : vector<1x256xf32>
    %sub3A = vector.broadcast %div3A_14 : vector<1x256xf32> to vector<256x256xf32>
    %sub3A_15 = arith.subf %add3A_11, %sub3A : vector<256x256xf32>
    %mul3A = arith.mulf %sub3A_15, %sub3A_15 : vector<256x256xf32>
    %reduce_sum3A_16 = arith.constant dense<0.000000e+00> : vector<256xf32>
    %reduce_sum3A_17 = vector.multi_reduction <add>, %mul3A, %reduce_sum3A_16 [0] : vector<256x256xf32> to vector<256xf32>
    %broadcast_in_dim3A_18 = vector.shape_cast %reduce_sum3A_17 : vector<256xf32> to vector<1x256xf32>
    %div3A_19 = arith.constant 2.560000e+02 : f32
    %div3A_20 = vector.broadcast %div3A_19 : f32 to vector<1x256xf32>
    %div3A_21 = arith.divf %broadcast_in_dim3A_18, %div3A_20 : vector<1x256xf32>
    %add3A_22 = arith.constant 9.99999974E-6 : f32
    %add3A_23 = vector.broadcast %add3A_22 : f32 to vector<1x256xf32>
    %add3A_24 = arith.addf %div3A_21, %add3A_23 : vector<1x256xf32>
    %sqrt3A = math.sqrt %add3A_24 : vector<1x256xf32>
    %div3A_25 = vector.broadcast %sqrt3A : vector<1x256xf32> to vector<256x256xf32>
    %div3A_26 = arith.divf %sub3A_15, %div3A_25 : vector<256x256xf32>
    %get3A_27 = arith.constant 0 : index
    %get3A_28 = arith.constant 0 : index
    %get3A_29 = vector.load %arg5[%get3A_27, %get3A_28] : memref<256x1xf32, #tpu.memory_space<vmem>>, vector<256x1xf32>
    %mul3A_30 = vector.broadcast %get3A_29 : vector<256x1xf32> to vector<256x256xf32>
    %mul3A_31 = arith.mulf %div3A_26, %mul3A_30 : vector<256x256xf32>
    %get3A_32 = arith.constant 0 : index
    %get3A_33 = arith.constant 0 : index
    %get3A_34 = vector.load %arg6[%get3A_32, %get3A_33] : memref<256x1xf32, #tpu.memory_space<vmem>>, vector<256x1xf32>
    %add3A_35 = vector.broadcast %get3A_34 : vector<256x1xf32> to vector<256x256xf32>
    %add3A_36 = arith.addf %mul3A_31, %add3A_35 : vector<256x256xf32>
    %swap3A = arith.constant 0 : index
    %swap3A_37 = arith.constant 0 : index
    %swap3A_38 = arith.constant 0 : index
    %swap3A_39 = vector.load %arg7[%swap3A, %swap3A_37, %swap3A_38] : memref<1x256x256xf32, #tpu.memory_space<vmem>>, vector<1x256x256xf32>
    %swap3A_40 = vector.shape_cast %swap3A_39 : vector<1x256x256xf32> to vector<256x256xf32>
    %swap3A_41 = vector.shape_cast %add3A_36 : vector<256x256xf32> to vector<1x256x256xf32>
    tpu.vector_store %arg7[%swap3A, %swap3A_37, %swap3A_38], %swap3A_41 {strides = array<i32>} : memref<1x256x256xf32, #tpu.memory_space<vmem>>, vector<1x256x256xf32>,
    return
  }
  func.func @transform_0(%arg0: i32, %arg1: i32) -> (i32, i32, i32) {
    %c0_i32 = arith.constant 0 : i32
    %c0_i32_0 = arith.constant 0 : i32
    return %arg0, %c0_i32, %arg1 : i32, i32, i32
  }
  func.func @transform_1(%arg0: i32, %arg1: i32) -> (i32, i32) {
    %c0_i32 = arith.constant 0 : i32
    %c0_i32_0 = arith.constant 0 : i32
    %c0_i32_1 = arith.constant 0 : i32
    return %c0_i32, %c0_i32_0 : i32, i32
  }
  func.func @transform_2(%arg0: i32, %arg1: i32) -> (i32, i32) {
    %c0_i32 = arith.constant 0 : i32
    %c0_i32_0 = arith.constant 0 : i32
    %c0_i32_1 = arith.constant 0 : i32
    return %c0_i32, %c0_i32_0 : i32, i32
  }
  func.func @transform_3(%arg0: i32, %arg1: i32) -> (i32, i32) {
    %c0_i32 = arith.constant 0 : i32
    %c0_i32_0 = arith.constant 0 : i32
    %c0_i32_1 = arith.constant 0 : i32
    return %c0_i32, %c0_i32_0 : i32, i32
  }
  func.func @transform_4(%arg0: i32, %arg1: i32) -> (i32, i32) {
    %c0_i32 = arith.constant 0 : i32
    %c0_i32_0 = arith.constant 0 : i32
    %c0_i32_1 = arith.constant 0 : i32
    return %c0_i32, %c0_i32_0 : i32, i32
  }
  func.func @transform_5(%arg0: i32, %arg1: i32) -> (i32, i32, i32) {
    %c0_i32 = arith.constant 0 : i32
    %c0_i32_0 = arith.constant 0 : i32
    return %arg0, %c0_i32, %arg1 : i32, i32, i32
  }
}

</mosaic_0001>

<sc_bundles>
// kernel: kernel.6.cloned.1.call-start
scs
__scs_entry_jumppad:
0x0: {  	(pc) =	sbr.rel $0x88, $3  }
0x1: {  	(tag) =	ssettag $0x0;
	lr =	simm.s32 $0x1  }
0x2: {  	[smem:$0x3F97] =	sst lr;
	_ =	strace $0xD0000000  }
0x3: {  	_ = 	snop  }
0x4: {  	_ = 	snop  }
0x5: {  	_ = 	snop  }
0x6: {  	_ = 	snop  }
0x7: {  	_ = 	snop  }
__scs_overlays_trampoline_lowered:
0x8: {  	[smem:$0x3FA6] =	sst s0  }
0x9: {  	[smem:$0x3FA7] =	sst s1  }
0xa: {  	[smem:$0x3FA8] =	sst s2  }
0xb: {  	[smem:$0x3FA9] =	sst s3  }
0xc: {  	[smem:$0x3FAA] =	sst s4  }
0xd: {  	[smem:$0x3FAB] =	sst s5  }
0xe: {  	[smem:$0x3FAC] =	sst s6  }
0xf: {  	[smem:$0x3FAD] =	sst s7  }
0x10: {  	[smem:$0x3FAE] =	sst s8  }
0x11: {  	[smem:$0x3FAF] =	sst s9;
	s0 =	simm.s32 @!p0 $0x0  }
0x12: {  	s1 =	sld [smem:$0x3F95];
	s0 =	simm.s32 @p0 $0x1  }
0x13: {  	[smem:$0x3FB0] =	sst s0;
	s0 =	simm.s32 @!p1 $0x0  }
0x14: {  	s2 =	sld [smem:$0x3F94];
	s0 =	simm.s32 @p1 $0x1  }
0x15: {  	[smem:$0x3FB1] =	sst s0;
	s0 =	simm.s32 @!p2 $0x0  }
0x16: {  	s3 =	sld [smem:$0x3FDB];
	s0 =	simm.s32 @p2 $0x1  }
0x17: {  	s4 =	simm.s32 $0x1BF5;
	[smem:$0x3FB3] =	sst s0  }
0x18: {  	s0 =	sld [smem:$0x3F96];
	_ =	swait.ge [sflag:s4], $0x0  }
0x19: {  	s7 =	sld [smem:$0x3F97]  }
0x1a: {  	s8 =	sadd.s32 $0xFFFFE003, lr  }
0x1b: {  	s9 =	sadd.s32 $0xFFFFFEF7, lr;
	s5 =	simm.s32 $0xFFFFFFFF;
	p2 =	slt.u32 s8, $0xFFFFF086  }
0x1c: {  	p1 =	slt.u32 s9, $0xF7A;
	s5 =	simm.s32 @!p2 $0x0  }
0x1d: {  	s5 =	simm.s32 @p1 $0x1;
	p0 =	seq.s32 s7, s2  }
0x1e: {  	s7 =	smul.u32 @!p0 $0xF7A, s2;
	p2 =	seq.s32 @!p0 s5, $0x0  }
0x1f: {  	s9 =	smul.u32 $0xF7A, s1;
	s8 =	simm.s32 @!p0 $0x1BF5;
	p2 =	por !p2, p0  }
0x20: {  	[sflag:s8] =	ssyncset.s32 @!p0 $0xFFFFF086;
	s6 =	sadd.s32 @!p0 s3, s7;
	s7 =	simm.s32 @!p0 $0x108  }
0x21: {  	s3 =	sadd.s32 s3, s9;
	s6 =	sadd.s32 @!p0 $0x88, s6;
	s7 =	simm.s32 @p2 $0x1082  }
0x22: {  	[simem:s7], [sflag:s8] =	dma.local @!p0 [hbm:s6], $0xF7A  }
0x23: {  	s9 =	sor.u32 $0xD0000000, s2;
	s6 =	simm.s32 $0x108;
	_ =	swait.ge @!p0 [sflag:s8], $0x0  }
0x24: {  	s3 =	sadd.s32 $0x88, s3;
	s6 =	simm.s32 @!p1 $0x1082;
	[sflag:s4] =	ssyncset.s32 $0xFFFFF086  }
0x25: {  	[simem:s6], [sflag:s4] =	dma.local [hbm:s3], $0xF7A  }
0x26: {  	[smem:$0x3F97] =	sst s1;
	(tag) =	ssettag s2;
	_ =	strace s9  }
0x27: {  	s1 =	sld [smem:$0x3FA7]  }
0x28: {  	s2 =	sld [smem:$0x3FA8]  }
0x29: {  	s4 =	sld [smem:$0x3FAA]  }
0x2a: {  	p0 =	seq.s32 s5, $0x0;
	s5 =	sld [smem:$0x3FAB]  }
0x2b: {  	s6 =	sld [smem:$0x3FAC]  }
0x2c: {  	s7 =	sld [smem:$0x3FAD]  }
0x2d: {  	s3 =	simm.s32 $0x108;
	s8 =	sld [smem:$0x3FAE]  }
0x2e: {  	s3 =	simm.s32 @!p0 $0x1082;
	s9 =	sld [smem:$0x3FAF]  }
0x2f: {  	lr =	sadd.s32 s0, s3;
	s0 =	sld [smem:$0x3FA6]  }
0x30: {  	s3 =	sld [smem:$0x3FA9]  }
0x31: {  	[smem:$0x3FB2] =	sst s10  }
0x32: {  	s10 =	sld [smem:$0x3FB0];
	_ =	sdelay $0x3  }
0x33: {  	p0 =	seq.s32 s10, $0x1;
	s10 =	sld [smem:$0x3FB2];
	_ =	sdelay $0x3  }
0x34: {  	[smem:$0x3FB2] =	sst s10  }
0x35: {  	s10 =	sld [smem:$0x3FB1];
	_ =	sdelay $0x3  }
0x36: {  	p1 =	seq.s32 s10, $0x1;
	s10 =	sld [smem:$0x3FB2];
	_ =	sdelay $0x3  }
0x37: {  	[smem:$0x3FB2] =	sst s10  }
0x38: {  	s10 =	sld [smem:$0x3FB3]  }
0x39: {  	_ = 	snop;
	(pc) =	sbr.ind lr, $3  }
0x3a: {  	_ = 	snop  }
0x3b: {  	_ = 	snop  }
0x3c: {  	p2 =	seq.s32 s10, $0x1;
	s10 =	sld [smem:$0x3FB2]  }
0x3d: {  	_ =	shalt  }
0x3e: {  	_ =	shalt  }
0x3f: {  	_ =	shalt  }
0x40: {  	_ =	shalt  }
0x41: {  	_ =	shalt  }
0x42: {  	_ =	shalt  }
0x43: {  	_ =	shalt  }
0x44: {  	_ =	shalt  }
0x45: {  	_ =	shalt  }
0x46: {  	_ =	shalt  }
0x47: {  	_ =	shalt  }
0x48: {  	_ =	shalt  }
0x49: {  	_ =	shalt  }
0x4a: {  	_ =	shalt  }
0x4b: {  	_ =	shalt  }
0x4c: {  	_ =	shalt  }
0x4d: {  	_ =	shalt  }
0x4e: {  	_ =	shalt  }
0x4f: {  	_ =	shalt  }
0x50: {  	_ =	shalt  }
0x51: {  	_ =	shalt  }
0x52: {  	_ =	shalt  }
0x53: {  	_ =	shalt  }
0x54: {  	_ =	shalt  }
0x55: {  	_ =	shalt  }
0x56: {  	_ =	shalt  }
0x57: {  	_ =	shalt  }
0x58: {  	_ =	shalt  }
0x59: {  	_ =	shalt  }
0x5a: {  	_ =	shalt  }
0x5b: {  	_ =	shalt  }
0x5c: {  	_ =	shalt  }
0x5d: {  	_ =	shalt  }
0x5e: {  	_ =	shalt  }
0x5f: {  	_ =	shalt  }
0x60: {  	_ =	shalt  }
0x61: {  	_ =	shalt  }
0x62: {  	_ =	shalt  }
0x63: {  	_ =	shalt  }
0x64: {  	_ =	shalt  }
0x65: {  	_ =	shalt  }
0x66: {  	_ =	shalt  }
0x67: {  	_ =	shalt  }
0x68: {  	_ =	shalt  }
0x69: {  	_ =	shalt  }
0x6a: {  	_ =	shalt  }
0x6b: {  	_ =	shalt  }
0x6c: {  	_ =	shalt  }
0x6d: {  	_ =	shalt  }
0x6e: {  	_ =	shalt  }
0x6f: {  	_ =	shalt  }
0x70: {  	_ =	shalt  }
0x71: {  	_ =	shalt  }
0x72: {  	_ =	shalt  }
0x73: {  	_ =	shalt  }
0x74: {  	_ =	shalt  }
0x75: {  	_ =	shalt  }
0x76: {  	_ =	shalt  }
0x77: {  	_ =	shalt  }
0x78: {  	_ =	shalt  }
0x79: {  	_ =	shalt  }
0x7a: {  	_ =	shalt  }
0x7b: {  	_ =	shalt  }
0x7c: {  	_ =	shalt  }
0x7d: {  	_ =	shalt  }
0x7e: {  	_ =	shalt  }
0x7f: {  	_ =	shalt  }
0x80: {  	_ =	shalt  }
0x81: {  	_ =	shalt  }
0x82: {  	_ =	shalt  }
0x83: {  	_ =	shalt  }
0x84: {  	_ =	shalt  }
0x85: {  	_ =	shalt  }
0x86: {  	_ =	shalt  }
0x87: {  	_ =	shalt  }
.Lfunc_end0:
.L_simem_size_0:
called_computation_lowered:
.L_overlay_start_0:
0x88: {  	s2 =	sld [smem:$0x3FD9]  }
0x89: {  	s3 =	sld [smem:$0x3FFE];
	_ =	sdelay $0x1  }
0x8a: {  	s1 =	srdreg.scid  }
0x8b: {  	s0 =	sand.u32 $0x1, s1  }
0x8c: {  	s14 =	sshll.u32 s0, $0xA;
	s2 =	sadd.s32 s3, s2  }
0x8d: {  	s2 =	sadd.s32 s2, s14  }
0x8e: {  	[smem:$0x3FBE] =	sst s2  }
0x8f: {  	_ = 	snop  }
0x90: {  	s2 =	sld [smem:$0x3FD0];
	_ =	sdelay $0x2  }
0x91: {  	s15 =	simm.s32 $0xA;
	s4 =	simm.s32 $0x10  }
0x92: {  	[smem:s4], [sflag:s15] =	dma.local [hbm:s2], $0x1  }
0x93: {  	_ =	swait.eq [sflag:s15], $0x1  }
0x94: {  	[sflag:s15] =	ssyncset.done $0x0  }
0x95: {  	s16 =	sld [smem:$0x10];
	[sflag:s15] =	ssyncadd.s32 $0xFFFFFFFF  }
0x96: {  	s17 =	sld [smem:$0x11];
	(tm) =	ssettm $0x1  }
0x97: {  	s18 =	sld [smem:$0x3FFB];
	_ =	sdelay $0x3  }
0x98: {  	_ =	strace s18  }
0x99: {  	s4 =	sld [smem:$0x3FFC];
	_ =	sdelay $0x3  }
0x9a: {  	_ =	strace s4  }
0x9b: {  	s4 =	sld [smem:$0x3FFD];
	_ =	sdelay $0x3  }
0x9c: {  	_ =	strace s4  }
0x9d: {  	_ =	strace $0x8FFFFFFF  }
0x9e: {  	s19 =	sld [smem:$0x3FDB];
	_ =	sdelay $0x1  }
0x9f: {  	s5 =	simm.s32 $_scs_section_size  }
0xa0: {  	s6 =	simm.s32 $_size__tile_overlayer_lowered;
	s7 =	simm.s32 $_tile_overlayer_lowered  }
0xa1: {  	s22 =	simm.s32 $0x1BFF;
	s21 =	sshll.u32 s7, $0x1;
	s4 =	sadd.s32 s5, s19  }
0xa2: {  	s8 =	simm.s32 $0x0;
	s20 =	sshll.u32 s6, $0x1;
	s6 =	sadd.s32 s21, s4  }
0xa3: {  	[timem:s8], [sflag:s22] =	dma.local [hbm:s6], s20  }
0xa4: {  	_ =	swait.ge [sflag:s22], s20  }
0xa5: {  	s5 =	ssub.s32 $0x0, s20;
	[sflag:s22] =	ssyncset.done $0x0  }
0xa6: {  	[sflag:s22] =	ssyncadd.s32 s5;
	_ =	sdelay $0x1  }
0xa7: {  	s23 =	simm.s32 $0x1B8B  }
0xa8: {  	_ =	swait.ge [sflag:s23], $0x1  }
0xa9: {  	[sflag:s23] =	ssyncset.done $0x0  }
0xaa: {  	s25 =	simm.s32 $0x1B8E;
	s24 =	sld [smem:$0x3FFE];
	[sflag:s23] =	ssyncadd.s32 $0xFFFFFFFF  }
0xab: {  	s26 =	simm.s32 $execute0_lowered;
	[smem:$0x3FD2] =	sst s25  }
0xac: {  	s6 =	sshll.u32 s26, $0x1;
	_ =	strace $0x80000046;
	[dreg:$0x1] =	wrdreg $0xFFFFFFFF  }
0xad: {  	s28 =	simm.s32 $_size_execute0_lowered;
	s4 =	sadd.s32 s4, s6;
	[dreg:$0x0] =	wrdreg $0x0  }
0xae: {  	s6 =	sshll.u32 s28, $0x1;
	[dreg:$0x2] =	wrdreg s4  }
0xaf: {  	[dreg:$0x3] =	wrdreg s6  }
0xb0: {  	[dreg:$0x4] =	wrdreg $0xC0  }
0xb1: {  	_ =	task [dreg:s8], $0x5FFFF  }
0xb2: {  	[dreg:$0x1] =	wrdreg $0xFFFFFFFF  }
0xb3: {  	[dreg:$0x0] =	wrdreg $0x60  }
0xb4: {  	[dreg:$0x2] =	wrdreg s24  }
0xb5: {  	[dreg:$0x3] =	wrdreg s16  }
0xb6: {  	[dreg:$0x4] =	wrdreg s17  }
0xb7: {  	[dreg:$0x5] =	wrdreg $0x9  }
0xb8: {  	_ =	task.clear_ibuf [dreg:s8], $0x6FFFF;
	_ =	strace $0x90000046  }
0xb9: {  	s29 =	simm.s32 $0x9;
	_ =	strace $0x80000048  }
0xba: {  	_ =	swait.ge [sflag:s29], $0x1  }
0xbb: {  	[sflag:s29] =	ssyncadd.s32 $0xFFFFFFFF  }
0xbc: {  	_ =	strace $0x90000048  }
0xbd: {  	_ =	sfence  }
0xbe: {  	s30 =	sld [smem:$0x0];
	_ =	sdelay $0x2  }
0xbf: {  	s31 =	sshll.u32 s1, $0xD;
	s1 =	sshrl.u32 s1, $0x2  }
0xc0: {  	s3 =	sand.u32 $0x4000, s31;
	s1 =	sadd.s32 s1, s30  }
0xc1: {  	s0 =	sor.u32 s3, s0;
	s1 =	sshll.u32 s1, $0x11  }
0xc2: {  	s0 =	sor.u32 s1, s0  }
0xc3: {  	s0 =	sadd.s32 $0x8F2B, s0  }
0xc4: {  	[sflag:s0] =	ssyncadd.remote.s32 $0x1  }
0xc5: {  	_ =	sfence.sel $0xFFFF  }
0xc6: {  	[dreg:$0x0] =	wrdreg $0xFFFFFFFF;
	(pc) =	sbr.abs _section_cstart, $3  }
0xc7: {  	[dreg:$0x1] =	wrdreg $0xFFFFFFFF  }
0xc8: {  	_ =	task.clear_ibuf [dreg:s8], $0x2FFFF;
	_ =	strace $0x9FFFFFFF  }
0xc9: {  	(tm) =	ssettm $0x7FFFFFFF  }
tec
execute0_lowered:
.L_overlay_start_1:
0x0: {  	(tag) =	ssettag $0x1  }
0x1: {  	s0 =	rddreg [dreg:$0x0]  }
0x2: {  	s1 =	rddreg [dreg:$0x1]  }
0x3: {  	s2 =	rddreg [dreg:$0x2];
	s12 =	simm.s32 $0x0;
	s3 =	srdreg.scid  }
0x4: {  	s8 =	stileid.u32;
	s13 =	simm.s32 $0x80;
	s14 =	simm.s32 $0x400  }
0x5: {  	s15 =	simm.s32 $0x3;
	s16 =	simm.s32 $0x800;
	s17 =	simm.s32 $0x480  }
0x6: {  	s18 =	simm.s32 $0x880;
	s19 =	simm.s32 $0x500;
	s20 =	simm.s32 $0x900  }
0x7: {  	s21 =	simm.s32 $0x580;
	s22 =	simm.s32 $0x980;
	s23 =	simm.s32 $0x600  }
0x8: {  	s24 =	simm.s32 $0xA00;
	s28 =	simm.s32 $0x700;
	s29 =	simm.s32 $0xB00  }
0x9: {  	s30 =	simm.s32 $0x780;
	s31 =	simm.s32 $0xB80;
	[smem:$0x7FF] =	sst s12  }
0xa: {  	s3 =	sand.u32 $0x1, s3;
	s5 =	sshll.u32 s8, $0x1;
	s4 =	sadd.s32 $0x76A200, s0  }
0xb: {  	s9 =	sshrl.u32 s8, $0x1;
	_ =	strace $0x80000047;
	s7 =	sor.u32 s3, s5  }
0xc: {  	s5 =	sadd.s32 $0x273600, s0;
	s3 =	ssub.s32 $0x2, s3;
	s8 =	sshll.u32 s9, $0x4  }
0xd: {  	s10 =	sshll.u32 s9, $0xA;
	s11 =	smul.u32 $0x4E20, s9;
	s6 =	sshll.u32 s7, $0x5  }
0xe: {  	s26 =	sshrl.u32 s3, $0x1;
	s1 =	sadd.s32 s1, s8;
	s0 =	sadd.s32 s6, s0  }
0xf: {  	s3 =	ssub.s32 s3, s26;
	[dreg:$0x4] =	wrdreg s1;
	s25 =	sadd.s32 $0x1C00, s0  }
0x10: {  	s8 =	sshll.u32 s7, $0x8;
	s3 =	smax.u32 s3, $0x1;
	[dreg:$0x5] =	wrdreg s25  }
0x11: {  	s6 =	sshll.u32 s7, $0x6;
	s26 =	sadd.s32 $0x2000, s0;
	[dreg:$0x6] =	wrdreg s3  }
0x12: {  	s8 =	ssub.s32 s8, s10;
	s0 =	sadd.s32 $0x2400, s0;
	[dreg:$0x7] =	wrdreg s26  }
0x13: {  	v0 =	vmov s11;
	s10 =	simm.s32 $0x2;
	s11 =	simm.s32 $0x0;
	[dreg:$0x8] =	wrdreg s0  }
0x14: {  	s25 =	simm.s32 $0x680;
	s26 =	simm.s32 $0xA80;
	s0 =	simm.s32 $0x1  }
.LBB2_1:
0x15: {  	s1 =	rddreg [dreg:$0x4]  }
0x16: {  	[tilespmem:s12], [sflag:$0x3] =	stream.strided.gather [hbm4b:s1+s13], $0x400, s14, s13, $0x38;
	[tilespmem:$0x1300] =	vst v63  }
0x17: {  	_ =	swait.ge [sflag:s15], $0x400  }
0x18: {  	[sflag:s15] =	ssyncset.done $0x0  }
0x19: {  	s1 =	simm.s32 $0x0;
	[sflag:s15] =	ssyncadd.s32 $0xFFFFFC00  }
.LBB2_2:
0x1a: {  	s9 =	simm.s32 $0x0  }
0x1b: {  	v4 =	vld [tilespmem:s9+$0x70]  }
0x1c: {  	s7 =	sadd.s32 s6, s1;
	v6 =	vld [tilespmem:s9+$0x0]  }
0x1d: {  	v7 =	vld [tilespmem:s9+$0x10];
	s3 =	smul.u32 $0x4E20, s7  }
0x1e: {  	v5 =	vld [tilespmem:s9+$0x20]  }
0x1f: {  	v3 =	vld [tilespmem:s9+$0x30];
	v1 =	vmov s3  }
0x20: {  	v2 =	vld [tilespmem:s9+$0x40];
	v8 =	vadd.s32 v1, v4  }
0x21: {  	v4 =	vld [tilespmem:s9+$0x50];
	v6 =	vadd.s32 v1, v6;
	[tilespmem:s9+$0x470] =	vst v8  }
0x22: {  	s12 =	simm.s32 $0x80;
	s3 =	simm.s32 $0x400;
	v7 =	vadd.s32 v1, v7;
	[tilespmem:s9+$0x400] =	vst v6;
	v6 =	vld [tilespmem:s9+$0x60]  }
.LBB2_3:
0x23: {  	p0 =	sne.s32 s3, $0xE00;
	v8 =	vld [tilespmem:s12+$0x70];
	[tilespmem:s9+$0x410] =	vst v7;
	v5 =	vadd.s32 v1, v5  }
0x24: {  	v7 =	vld [tilespmem:s12+$0x0];
	[tilespmem:s9+$0x420] =	vst v5;
	v3 =	vadd.s32 v1, v3  }
0x25: {  	v9 =	vld [tilespmem:s12+$0x10];
	[tilespmem:s9+$0x430] =	vst v3;
	v2 =	vadd.s32 v1, v2  }
.Ltmp0:
0x26: {  	v5 =	vld [tilespmem:s12+$0x20];
	[tilespmem:s9+$0x440] =	vst v2;
	v2 =	vadd.s32 v1, v4;
	(pc) =	sbr.rel @p0 .LBB2_3-.Ltmp0, $4  }
0x27: {  	v3 =	vld [tilespmem:s12+$0x30];
	[tilespmem:s9+$0x450] =	vst v2;
	v4 =	vadd.s32 v1, v6  }
0x28: {  	v2 =	vld [tilespmem:s12+$0x40];
	v6 =	vadd.s32 v1, v8;
	[tilespmem:s9+$0x460] =	vst v4;
	s9 =	smov.u32 s12  }
0x29: {  	v7 =	vadd.s32 v1, v7;
	v4 =	vld [tilespmem:s9+$0x50];
	[tilespmem:s9+$0x470] =	vst v6  }
0x2a: {  	s12 =	sshra.s32 s3, $0x2;
	s3 =	sadd.s32 $0x200, s3;
	[tilespmem:s9+$0x400] =	vst v7;
	v7 =	vadd.s32 v1, v9;
	v6 =	vld [tilespmem:s9+$0x60]  }
0x2b: {  	v8 =	vld [tilespmem:s12+$0x70];
	[tilespmem:s9+$0x410] =	vst v7;
	v5 =	vadd.s32 v1, v5  }
0x2c: {  	v7 =	vld [tilespmem:s12+$0x0];
	[tilespmem:s9+$0x420] =	vst v5;
	v3 =	vadd.s32 v1, v3  }
0x2d: {  	v5 =	vld [tilespmem:s12+$0x10];
	[tilespmem:s9+$0x430] =	vst v3;
	v2 =	vadd.s32 v1, v2  }
0x2e: {  	v3 =	vld [tilespmem:s12+$0x20];
	[tilespmem:s9+$0x440] =	vst v2;
	v2 =	vadd.s32 v1, v4  }
0x2f: {  	v60 =	vld [tilespmem:s12+$0x30];
	[tilespmem:s9+$0x450] =	vst v2;
	v2 =	vadd.s32 v1, v6  }
0x30: {  	v61 =	vld [tilespmem:s12+$0x40];
	[tilespmem:s9+$0x460] =	vst v2;
	v2 =	vadd.s32 v1, v8  }
0x31: {  	v62 =	vld [tilespmem:s12+$0x50];
	v7 =	vadd.s32 v1, v7;
	[tilespmem:s12+$0x470] =	vst v2  }
0x32: {  	v63 =	vld [tilespmem:s12+$0x60];
	[tilespmem:s12+$0x400] =	vst v7;
	v2 =	vadd.s32 v1, v5  }
0x33: {  	[tilespmem:s12+$0x410] =	vst v2;
	v2 =	vadd.s32 v1, v3  }
0x34: {  	[tilespmem:s12+$0x420] =	vst v2;
	v2 =	vadd.s32 v1, v60  }
0x35: {  	[tilespmem:s12+$0x430] =	vst v2;
	v2 =	vadd.s32 v1, v61  }
0x36: {  	[tilespmem:s12+$0x440] =	vst v2;
	v2 =	vadd.s32 v1, v62  }
0x37: {  	v1 =	vadd.s32 v1, v63;
	[tilespmem:s12+$0x450] =	vst v2  }
0x38: {  	[tilespmem:s12+$0x460] =	vst v1  }
0x39: {  	[tilespmem:s16], [sflag:$0x1] =	stream.indirect.gather [hbm4b:s4+s13], $0x1, s14, s13, $0xb8;
	[tilespmem:$0x1300] =	vst v63  }
0x3a: {  	_ = 	snop  }
0x3b: {  	[tilespmem:s18], [sflag:$0x1] =	stream.indirect.gather [hbm4b:s4+s13], $0x1, s17, s13, $0xb8;
	[tilespmem:$0x1300] =	vst v63  }
0x3c: {  	_ = 	snop  }
0x3d: {  	[tilespmem:s20], [sflag:$0x1] =	stream.indirect.gather [hbm4b:s4+s13], $0x1, s19, s13, $0xb8;
	[tilespmem:$0x1300] =	vst v63  }
0x3e: {  	_ = 	snop  }
0x3f: {  	[tilespmem:s22], [sflag:$0x1] =	stream.indirect.gather [hbm4b:s4+s13], $0x1, s21, s13, $0xb8;
	[tilespmem:$0x1300] =	vst v63  }
0x40: {  	_ = 	snop  }
0x41: {  	[tilespmem:s24], [sflag:$0x1] =	stream.indirect.gather [hbm4b:s4+s13], $0x1, s23, s13, $0xb8;
	[tilespmem:$0x1300] =	vst v63  }
0x42: {  	_ = 	snop  }
0x43: {  	[tilespmem:s26], [sflag:$0x1] =	stream.indirect.gather [hbm4b:s4+s13], $0x1, s25, s13, $0xb8;
	[tilespmem:$0x1300] =	vst v63  }
0x44: {  	_ = 	snop  }
0x45: {  	[tilespmem:s29], [sflag:$0x1] =	stream.indirect.gather [hbm4b:s4+s13], $0x1, s28, s13, $0xb8;
	[tilespmem:$0x1300] =	vst v63  }
0x46: {  	_ = 	snop  }
0x47: {  	[tilespmem:s31], [sflag:$0x1] =	stream.indirect.gather [hbm4b:s4+s13], $0x1, s30, s13, $0xb8;
	[tilespmem:$0x1300] =	vst v63  }
0x48: {  	_ =	swait.ge [sflag:s0], $0x80  }
0x49: {  	[sflag:s0] =	ssyncset.done $0x0  }
0x4a: {  	[sflag:s0] =	ssyncadd.s32 $0xFFFFFF80  }
0x4b: {  	_ =	swait.ge [sflag:s0], $0x80  }
0x4c: {  	[sflag:s0] =	ssyncset.done $0x0  }
0x4d: {  	[sflag:s0] =	ssyncadd.s32 $0xFFFFFF80  }
0x4e: {  	_ =	swait.ge [sflag:s0], $0x80  }
0x4f: {  	[sflag:s0] =	ssyncset.done $0x0  }
0x50: {  	[sflag:s0] =	ssyncadd.s32 $0xFFFFFF80  }
0x51: {  	_ =	swait.ge [sflag:s0], $0x80  }
0x52: {  	[sflag:s0] =	ssyncset.done $0x0  }
0x53: {  	[sflag:s0] =	ssyncadd.s32 $0xFFFFFF80  }
0x54: {  	_ =	swait.ge [sflag:s0], $0x80  }
0x55: {  	[sflag:s0] =	ssyncset.done $0x0  }
0x56: {  	[sflag:s0] =	ssyncadd.s32 $0xFFFFFF80  }
0x57: {  	_ =	swait.ge [sflag:s0], $0x80  }
0x58: {  	[sflag:s0] =	ssyncset.done $0x0  }
0x59: {  	[sflag:s0] =	ssyncadd.s32 $0xFFFFFF80  }
0x5a: {  	_ =	swait.ge [sflag:s0], $0x80  }
0x5b: {  	[sflag:s0] =	ssyncset.done $0x0  }
0x5c: {  	[sflag:s0] =	ssyncadd.s32 $0xFFFFFF80  }
0x5d: {  	s3 =	sshll.u32 s7, $0x7;
	s1 =	sadd.s32 $0x1, s1;
	_ =	swait.ge [sflag:s0], $0x80  }
0x5e: {  	s3 =	sadd.s32 s2, s3;
	p0 =	sne.s32 s1, $0x40;
	[sflag:s0] =	ssyncset.done $0x0  }
.Ltmp1:
0x5f: {  	s12 =	simm.s32 $0x0;
	[sflag:s0] =	ssyncadd.s32 $0xFFFFFF80;
	(pc) =	sbr.rel @p0 .LBB2_2-.Ltmp1, $4  }
0x60: {  	[hbm4b:s3+s12] =	stream.linear.scatter [tilespmem:s16], [sflag:$0x3], $0x400, $0x38;
	[tilespmem:$0x1300] =	vst v63  }
0x61: {  	_ =	swait.ge [sflag:s15], $0x400  }
0x62: {  	[sflag:s15] =	ssyncset.done $0x0  }
0x63: {  	[sflag:s15] =	ssyncadd.s32 $0xFFFFFC00  }
0x64: {  	v1 =	vld [tilespmem:s8+$0x0];
	_ =	sdelay $0x4  }
0x65: {  	v1 =	vadd.s32 v0, v1  }
0x66: {  	v1 =	vmul.u32 $0x3, v1;
	_ =	sdelay $0x1  }
0x67: {  	s1 =	simm.s32 $0xC40;
	v1 =	vadd.s32 s12, v1  }
0x68: {  	[tilespmem:s1+$0xFFFFFFC0] =	vst v1  }
0x69: {  	v1 =	vld [tilespmem:s8+$0x10];
	_ =	sdelay $0x4  }
0x6a: {  	v1 =	vadd.s32 v0, v1  }
0x6b: {  	v1 =	vmul.u32 $0x3, v1;
	_ =	sdelay $0x1  }
0x6c: {  	v1 =	vadd.s32 s12, v1  }
0x6d: {  	[tilespmem:s1+$0xFFFFFFD0] =	vst v1  }
0x6e: {  	v1 =	vld [tilespmem:s8+$0x20];
	_ =	sdelay $0x4  }
0x6f: {  	v1 =	vadd.s32 v0, v1  }
0x70: {  	v1 =	vmul.u32 $0x3, v1;
	_ =	sdelay $0x1  }
0x71: {  	v1 =	vadd.s32 s12, v1  }
0x72: {  	[tilespmem:s1+$0xFFFFFFE0] =	vst v1  }
0x73: {  	v1 =	vld [tilespmem:s8+$0x30];
	_ =	sdelay $0x4  }
0x74: {  	v1 =	vadd.s32 v0, v1  }
0x75: {  	v1 =	vmul.u32 $0x3, v1;
	_ =	sdelay $0x1  }
0x76: {  	v1 =	vadd.s32 s12, v1  }
0x77: {  	[tilespmem:s1+$0xFFFFFFF0] =	vst v1  }
0x78: {  	v1 =	vld [tilespmem:s8+$0x40];
	_ =	sdelay $0x4  }
0x79: {  	v1 =	vadd.s32 v0, v1  }
0x7a: {  	v1 =	vmul.u32 $0x3, v1;
	_ =	sdelay $0x1  }
0x7b: {  	v1 =	vadd.s32 s12, v1  }
0x7c: {  	[tilespmem:s1+$0x0] =	vst v1  }
0x7d: {  	v1 =	vld [tilespmem:s8+$0x50];
	_ =	sdelay $0x4  }
0x7e: {  	v1 =	vadd.s32 v0, v1  }
0x7f: {  	v1 =	vmul.u32 $0x3, v1;
	_ =	sdelay $0x1  }
0x80: {  	v1 =	vadd.s32 s12, v1  }
0x81: {  	[tilespmem:s1+$0x10] =	vst v1  }
0x82: {  	v1 =	vld [tilespmem:s8+$0x60];
	_ =	sdelay $0x4  }
0x83: {  	v1 =	vadd.s32 v0, v1  }
0x84: {  	v1 =	vmul.u32 $0x3, v1;
	_ =	sdelay $0x1  }
0x85: {  	v1 =	vadd.s32 s12, v1  }
0x86: {  	[tilespmem:s1+$0x20] =	vst v1  }
0x87: {  	v1 =	vld [tilespmem:s8+$0x70];
	_ =	sdelay $0x4  }
0x88: {  	v1 =	vadd.s32 v0, v1  }
0x89: {  	v1 =	vmul.u32 $0x3, v1;
	_ =	sdelay $0x1  }
0x8a: {  	s7 =	simm.s32 $0x1;
	v1 =	vadd.s32 s12, v1  }
.LBB2_6:
0x8b: {  	p0 =	sne.s32 s7, $0x2  }
0x8c: {  	[tilespmem:s1+$0x30] =	vst v1;
	s1 =	sadd.s32 $0x100, s1;
	s9 =	smov.u32 s7;
	s7 =	sadd.s32 $0x1, s7  }
0x8d: {  	v1 =	vld [tilespmem:s8+$0x0];
	_ =	sdelay $0x4  }
0x8e: {  	v1 =	vadd.s32 v0, v1  }
0x8f: {  	v1 =	vmul.u32 $0x3, v1;
	_ =	sdelay $0x1  }
0x90: {  	v1 =	vadd.s32 s9, v1  }
0x91: {  	[tilespmem:s1+$0xFFFFFFC0] =	vst v1  }
0x92: {  	v1 =	vld [tilespmem:s8+$0x10];
	_ =	sdelay $0x4  }
0x93: {  	v1 =	vadd.s32 v0, v1  }
0x94: {  	v1 =	vmul.u32 $0x3, v1;
	_ =	sdelay $0x1  }
0x95: {  	v1 =	vadd.s32 s9, v1  }
0x96: {  	[tilespmem:s1+$0xFFFFFFD0] =	vst v1  }
0x97: {  	v1 =	vld [tilespmem:s8+$0x20];
	_ =	sdelay $0x4  }
0x98: {  	v1 =	vadd.s32 v0, v1  }
0x99: {  	v1 =	vmul.u32 $0x3, v1;
	_ =	sdelay $0x1  }
0x9a: {  	v1 =	vadd.s32 s9, v1  }
0x9b: {  	[tilespmem:s1+$0xFFFFFFE0] =	vst v1  }
0x9c: {  	v1 =	vld [tilespmem:s8+$0x30];
	_ =	sdelay $0x4  }
0x9d: {  	v1 =	vadd.s32 v0, v1  }
0x9e: {  	v1 =	vmul.u32 $0x3, v1;
	_ =	sdelay $0x1  }
0x9f: {  	v1 =	vadd.s32 s9, v1  }
0xa0: {  	[tilespmem:s1+$0xFFFFFFF0] =	vst v1  }
0xa1: {  	v1 =	vld [tilespmem:s8+$0x40];
	_ =	sdelay $0x4  }
0xa2: {  	v1 =	vadd.s32 v0, v1  }
0xa3: {  	v1 =	vmul.u32 $0x3, v1;
	_ =	sdelay $0x1  }
0xa4: {  	v1 =	vadd.s32 s9, v1  }
0xa5: {  	[tilespmem:s1+$0x0] =	vst v1  }
0xa6: {  	v1 =	vld [tilespmem:s8+$0x50];
	_ =	sdelay $0x4  }
0xa7: {  	v1 =	vadd.s32 v0, v1  }
0xa8: {  	v1 =	vmul.u32 $0x3, v1;
	_ =	sdelay $0x1  }
0xa9: {  	v1 =	vadd.s32 s9, v1  }
0xaa: {  	[tilespmem:s1+$0x10] =	vst v1  }
0xab: {  	v1 =	vld [tilespmem:s8+$0x60];
	_ =	sdelay $0x4  }
0xac: {  	v1 =	vadd.s32 v0, v1  }
0xad: {  	v1 =	vmul.u32 $0x3, v1;
	_ =	sdelay $0x1  }
0xae: {  	v1 =	vadd.s32 s9, v1  }
0xaf: {  	[tilespmem:s1+$0x20] =	vst v1  }
0xb0: {  	v1 =	vld [tilespmem:s8+$0x70];
	_ =	sdelay $0x3  }
.Ltmp2:
0xb1: {  	(pc) =	sbr.rel @p0 .LBB2_6-.Ltmp2, $3  }
0xb2: {  	v1 =	vadd.s32 v0, v1  }
0xb3: {  	v1 =	vmul.u32 $0x3, v1;
	_ =	sdelay $0x1  }
0xb4: {  	v1 =	vadd.s32 s9, v1  }
0xb5: {  	[tilespmem:s1+$0x30] =	vst v1  }
0xb6: {  	v1 =	vld [tilespmem:s8+$0x80];
	_ =	sdelay $0x4  }
0xb7: {  	v1 =	vadd.s32 v0, v1  }
0xb8: {  	v1 =	vmul.u32 $0x3, v1;
	_ =	sdelay $0x1  }
0xb9: {  	s1 =	simm.s32 $0xCF0;
	v1 =	vadd.s32 s12, v1  }
0xba: {  	[tilespmem:s1+$0xFFFFFF90] =	vst v1  }
0xbb: {  	v1 =	vld [tilespmem:s8+$0x90];
	_ =	sdelay $0x4  }
0xbc: {  	v1 =	vadd.s32 v0, v1  }
0xbd: {  	v1 =	vmul.u32 $0x3, v1;
	_ =	sdelay $0x1  }
0xbe: {  	v1 =	vadd.s32 s12, v1  }
0xbf: {  	[tilespmem:s1+$0xFFFFFFA0] =	vst v1  }
0xc0: {  	v1 =	vld [tilespmem:s8+$0xA0];
	_ =	sdelay $0x4  }
0xc1: {  	v1 =	vadd.s32 v0, v1  }
0xc2: {  	v1 =	vmul.u32 $0x3, v1;
	_ =	sdelay $0x1  }
0xc3: {  	v1 =	vadd.s32 s12, v1  }
0xc4: {  	[tilespmem:s1+$0xFFFFFFB0] =	vst v1  }
0xc5: {  	v1 =	vld [tilespmem:s8+$0xB0];
	_ =	sdelay $0x4  }
0xc6: {  	v1 =	vadd.s32 v0, v1  }
0xc7: {  	v1 =	vmul.u32 $0x3, v1;
	_ =	sdelay $0x1  }
0xc8: {  	v1 =	vadd.s32 s12, v1  }
0xc9: {  	[tilespmem:s1+$0xFFFFFFC0] =	vst v1  }
0xca: {  	v1 =	vld [tilespmem:s8+$0xC0];
	_ =	sdelay $0x4  }
0xcb: {  	v1 =	vadd.s32 v0, v1  }
0xcc: {  	v1 =	vmul.u32 $0x3, v1;
	_ =	sdelay $0x1  }
0xcd: {  	v1 =	vadd.s32 s12, v1  }
0xce: {  	[tilespmem:s1+$0xFFFFFFD0] =	vst v1  }
0xcf: {  	v1 =	vld [tilespmem:s8+$0xD0];
	_ =	sdelay $0x4  }
0xd0: {  	v1 =	vadd.s32 v0, v1  }
0xd1: {  	v1 =	vmul.u32 $0x3, v1;
	_ =	sdelay $0x1  }
0xd2: {  	v1 =	vadd.s32 s12, v1  }
0xd3: {  	[tilespmem:s1+$0xFFFFFFE0] =	vst v1  }
0xd4: {  	v1 =	vld [tilespmem:s8+$0xE0];
	_ =	sdelay $0x4  }
0xd5: {  	v1 =	vadd.s32 v0, v1  }
0xd6: {  	v1 =	vmul.u32 $0x3, v1;
	_ =	sdelay $0x1  }
0xd7: {  	v1 =	vadd.s32 s12, v1  }
0xd8: {  	[tilespmem:s1+$0xFFFFFFF0] =	vst v1  }
0xd9: {  	v1 =	vld [tilespmem:s8+$0xF0];
	_ =	sdelay $0x4  }
0xda: {  	v1 =	vadd.s32 v0, v1  }
0xdb: {  	v1 =	vmul.u32 $0x3, v1;
	_ =	sdelay $0x1  }
0xdc: {  	s7 =	simm.s32 $0x1;
	v1 =	vadd.s32 s12, v1  }
.LBB2_8:
0xdd: {  	p0 =	sne.s32 s7, $0x2  }
0xde: {  	[tilespmem:s1+$0x0] =	vst v1;
	s1 =	sadd.s32 $0x100, s1;
	s9 =	smov.u32 s7;
	s7 =	sadd.s32 $0x1, s7  }
0xdf: {  	v1 =	vld [tilespmem:s8+$0x80];
	_ =	sdelay $0x4  }
0xe0: {  	v1 =	vadd.s32 v0, v1  }
0xe1: {  	v1 =	vmul.u32 $0x3, v1;
	_ =	sdelay $0x1  }
0xe2: {  	v1 =	vadd.s32 s9, v1  }
0xe3: {  	[tilespmem:s1+$0xFFFFFF90] =	vst v1  }
0xe4: {  	v1 =	vld [tilespmem:s8+$0x90];
	_ =	sdelay $0x4  }
0xe5: {  	v1 =	vadd.s32 v0, v1  }
0xe6: {  	v1 =	vmul.u32 $0x3, v1;
	_ =	sdelay $0x1  }
0xe7: {  	v1 =	vadd.s32 s9, v1  }
0xe8: {  	[tilespmem:s1+$0xFFFFFFA0] =	vst v1  }
0xe9: {  	v1 =	vld [tilespmem:s8+$0xA0];
	_ =	sdelay $0x4  }
0xea: {  	v1 =	vadd.s32 v0, v1  }
0xeb: {  	v1 =	vmul.u32 $0x3, v1;
	_ =	sdelay $0x1  }
0xec: {  	v1 =	vadd.s32 s9, v1  }
0xed: {  	[tilespmem:s1+$0xFFFFFFB0] =	vst v1  }
0xee: {  	v1 =	vld [tilespmem:s8+$0xB0];
	_ =	sdelay $0x4  }
0xef: {  	v1 =	vadd.s32 v0, v1  }
0xf0: {  	v1 =	vmul.u32 $0x3, v1;
	_ =	sdelay $0x1  }
0xf1: {  	v1 =	vadd.s32 s9, v1  }
0xf2: {  	[tilespmem:s1+$0xFFFFFFC0] =	vst v1  }
0xf3: {  	v1 =	vld [tilespmem:s8+$0xC0];
	_ =	sdelay $0x4  }
0xf4: {  	v1 =	vadd.s32 v0, v1  }
0xf5: {  	v1 =	vmul.u32 $0x3, v1;
	_ =	sdelay $0x1  }
0xf6: {  	v1 =	vadd.s32 s9, v1  }
0xf7: {  	[tilespmem:s1+$0xFFFFFFD0] =	vst v1  }
0xf8: {  	v1 =	vld [tilespmem:s8+$0xD0];
	_ =	sdelay $0x4  }
0xf9: {  	v1 =	vadd.s32 v0, v1  }
0xfa: {  	v1 =	vmul.u32 $0x3, v1;
	_ =	sdelay $0x1  }
0xfb: {  	v1 =	vadd.s32 s9, v1  }
0xfc: {  	[tilespmem:s1+$0xFFFFFFE0] =	vst v1  }
0xfd: {  	v1 =	vld [tilespmem:s8+$0xE0];
	_ =	sdelay $0x4  }
0xfe: {  	v1 =	vadd.s32 v0, v1  }
0xff: {  	v1 =	vmul.u32 $0x3, v1;
	_ =	sdelay $0x1  }
0x100: {  	v1 =	vadd.s32 s9, v1  }
0x101: {  	[tilespmem:s1+$0xFFFFFFF0] =	vst v1  }
0x102: {  	v1 =	vld [tilespmem:s8+$0xF0];
	_ =	sdelay $0x3  }
.Ltmp3:
0x103: {  	(pc) =	sbr.rel @p0 .LBB2_8-.Ltmp3, $3  }
0x104: {  	v1 =	vadd.s32 v0, v1  }
0x105: {  	v1 =	vmul.u32 $0x3, v1;
	_ =	sdelay $0x1  }
0x106: {  	v1 =	vadd.s32 s9, v1  }
0x107: {  	[tilespmem:s1+$0x0] =	vst v1;
	s9 =	simm.s32 $0xC00;
	s3 =	simm.s32 $0x1000  }
0x108: {  	[tilespmem:s3], [sflag:$0x2] =	stream.indirect.gather [hbm4b:s5+s13], $0x1, s9, s13, $0xb8;
	[tilespmem:$0x1300] =	vst v63  }
0x109: {  	s12 =	simm.s32 $0xC80;
	s7 =	simm.s32 $0x1080  }
0x10a: {  	[tilespmem:s7], [sflag:$0x2] =	stream.indirect.gather [hbm4b:s5+s13], $0x1, s12, s13, $0xb8;
	[tilespmem:$0x1300] =	vst v63  }
0x10b: {  	s9 =	simm.s32 $0xD00;
	s7 =	simm.s32 $0x1100  }
0x10c: {  	[tilespmem:s7], [sflag:$0x2] =	stream.indirect.gather [hbm4b:s5+s13], $0x1, s9, s13, $0xb8;
	[tilespmem:$0x1300] =	vst v63  }
0x10d: {  	s12 =	simm.s32 $0xD80;
	s9 =	simm.s32 $0x1180  }
0x10e: {  	[tilespmem:s9], [sflag:$0x2] =	stream.indirect.gather [hbm4b:s5+s13], $0x1, s12, s13, $0xb8;
	[tilespmem:$0x1300] =	vst v63  }
0x10f: {  	s12 =	simm.s32 $0xE00;
	s9 =	simm.s32 $0x1200  }
0x110: {  	[tilespmem:s9], [sflag:$0x2] =	stream.indirect.gather [hbm4b:s5+s13], $0x1, s12, s13, $0xb8;
	[tilespmem:$0x1300] =	vst v63  }
0x111: {  	s1 =	simm.s32 $0xE80;
	s12 =	simm.s32 $0x1280  }
0x112: {  	[tilespmem:s12], [sflag:$0x2] =	stream.indirect.gather [hbm4b:s5+s13], $0x1, s1, s13, $0xb8;
	[tilespmem:$0x1300] =	vst v63  }
0x113: {  	_ =	swait.ge [sflag:s10], $0x80  }
0x114: {  	[sflag:s10] =	ssyncset.done $0x0  }
0x115: {  	[sflag:s10] =	ssyncadd.s32 $0xFFFFFF80  }
0x116: {  	_ =	swait.ge [sflag:s10], $0x80  }
0x117: {  	[sflag:s10] =	ssyncset.done $0x0  }
0x118: {  	[sflag:s10] =	ssyncadd.s32 $0xFFFFFF80  }
0x119: {  	_ =	swait.ge [sflag:s10], $0x80  }
0x11a: {  	[sflag:s10] =	ssyncset.done $0x0  }
0x11b: {  	[sflag:s10] =	ssyncadd.s32 $0xFFFFFF80  }
0x11c: {  	_ =	swait.ge [sflag:s10], $0x80  }
0x11d: {  	[sflag:s10] =	ssyncset.done $0x0  }
0x11e: {  	[sflag:s10] =	ssyncadd.s32 $0xFFFFFF80  }
0x11f: {  	_ =	swait.ge [sflag:s10], $0x80  }
0x120: {  	[sflag:s10] =	ssyncset.done $0x0  }
0x121: {  	[sflag:s10] =	ssyncadd.s32 $0xFFFFFF80  }
0x122: {  	_ =	swait.ge [sflag:s10], $0x80  }
0x123: {  	[sflag:s10] =	ssyncset.done $0x0  }
0x124: {  	s12 =	simm.s32 $0x0;
	s1 =	rddreg [dreg:$0x5];
	[sflag:s10] =	ssyncadd.s32 $0xFFFFFF80  }
0x125: {  	[hbm4b:s1+s12] =	stream.linear.scatter [tilespmem:s3], [sflag:$0x3], $0x100, $0x38;
	[tilespmem:$0x1300] =	vst v63  }
0x126: {  	_ =	swait.ge [sflag:s15], $0x100  }
0x127: {  	[sflag:s15] =	ssyncset.done $0x0  }
0x128: {  	s3 =	rddreg [dreg:$0x7];
	[sflag:s15] =	ssyncadd.s32 $0xFFFFFF00  }
0x129: {  	[hbm4b:s3+s12] =	stream.linear.scatter [tilespmem:s7], [sflag:$0x3], $0x100, $0x38;
	[tilespmem:$0x1300] =	vst v63  }
0x12a: {  	_ =	swait.ge [sflag:s15], $0x100  }
0x12b: {  	[sflag:s15] =	ssyncset.done $0x0  }
0x12c: {  	s7 =	rddreg [dreg:$0x8];
	[sflag:s15] =	ssyncadd.s32 $0xFFFFFF00  }
0x12d: {  	[hbm4b:s7+s12] =	stream.linear.scatter [tilespmem:s9], [sflag:$0x3], $0x100, $0x38;
	[tilespmem:$0x1300] =	vst v63  }
0x12e: {  	_ =	swait.ge [sflag:s15], $0x100  }
0x12f: {  	s11 =	sadd.s32 $0x1, s11;
	s9 =	rddreg [dreg:$0x6]  }
0x130: {  	p0 =	sne.s32 s11, s9  }
.Ltmp4:
0x131: {  	_ = 	snop;
	(pc) =	sbr.rel @p0 .LBB2_1-.Ltmp4, $3  }
0x132: {  	_ =	sdelay $0x1  }
0x133: {  	[sflag:s15] =	ssyncset.done $0x0  }
0x134: {  	[sflag:s15] =	ssyncadd.s32 $0xFFFFFF00  }
0x135: {  	_ =	sfence.sel $0x180000  }
0x136: {  	[bflag:$0x0] =	sbarrier.arrive $0xFFFF  }
0x137: {  	_ =	strace $0x90000047  }
0x138: {  	s0 =	stileid.u32;
	[bflag:$0x2] =	sbarrier.arrive $0xFFFF  }
0x139: {  	p0 =	sne.s32 s0, $0x0;
	s0 =	rddreg [dreg:$0x3]  }
0x13a: {  	s0 =	sadd.s32 @!p0 $0x100000, s0  }
0x13b: {  	[sflag:s0] =	ssyncadd.tile.s32 @!p0 $0x1;
	_ =	shalt  }
.Lfunc_end2:
_tile_overlayer_lowered:
.L_overlay_start_2:
0x13c: {  	(tag) =	ssettag $0x2  }
0x13d: {  	s0 =	rddreg [dreg:$0x0];
	s2 =	stileid.u32  }
0x13e: {  	s1 =	rddreg [dreg:$0x1];
	p0 =	sne.s32 s2, $0x0  }
0x13f: {  	s3 =	rddreg [dreg:$0x2];
	[bflag:$0x3] =	sbarrier.arrive $0xFFFF;
	s2 =	simm.s32 @!p0 $0x1C03  }
0x140: {  	[timem:s3], [sflag:s2] =	dma.local @!p0 [hbm:s0], s1  }
0x141: {  	s0 =	simm.s32 @!p0 $0x3  }
0x142: {  	_ =	swait.ge @!p0 [sflag:s0], s1  }
0x143: {  	s1 =	ssub.s32 @!p0 $0x0, s1;
	[sflag:s0] =	ssyncset.done @!p0 $0x0  }
0x144: {  	[sflag:s0] =	ssyncadd.s32 @!p0 s1  }
0x145: {  	[bflag:$0x3] =	sbarrier.arrive $0xFFFF  }
0x146: {  	_ =	shalt  }

</sc_bundles>
